<compile_context>
chip_gen: v7x
topology: tpu7x:2x2x1
jax: 0.10.2.dev20260603
libtpu: 0.0.44.dev20260713+nightly
codegen_flags: <defaults>
</compile_context>

<pallas_src>
import functools

import jax
import jax.numpy as jnp
from jax import lax
from jax.experimental import pallas as pl
from jax.experimental.pallas import tpu as pltpu
from jax.experimental.pallas import tpu_sc as plsc

B = 16384
EMB = 64
H1 = 128
H2 = 64
NC = 2
NS = 16
NW = NC * NS
BPW = B // NW
CHUNK = 128
NCHUNK = BPW // CHUNK

_mesh = plsc.VectorSubcoreMesh(core_axis_name="c", subcore_axis_name="s")


@functools.partial(
    pl.kernel,
    mesh=_mesh,
    out_type=(
        jax.ShapeDtypeStruct((B, 2 * EMB), jnp.float32),
        jax.ShapeDtypeStruct((B, 2 * EMB), jnp.float32),
    ),
    scratch_types=[
        pltpu.VMEM((NCHUNK, CHUNK), jnp.int32),
        pltpu.VMEM((NCHUNK, CHUNK), jnp.int32),
        pltpu.VMEM((NCHUNK, CHUNK), jnp.int32),
        pltpu.VMEM((NCHUNK, CHUNK), jnp.int32),
        pltpu.VMEM((2, CHUNK, 2 * EMB), jnp.float32),
        pltpu.VMEM((2, CHUNK, 2 * EMB), jnp.float32),
        pltpu.SemaphoreType.DMA,
        pltpu.SemaphoreType.DMA,
        pltpu.SemaphoreType.DMA,
        pltpu.SemaphoreType.DMA,
    ],
)
def _sc_gather(uidx_hbm, midx_hbm, utab_hbm, mtab_hbm, uout_hbm, mout_hbm,
               uidx_v, midx_v, uq_v, mq_v, ubuf, mbuf, su0, su1, sm0, sm1):
    wid = lax.axis_index("s") * NC + lax.axis_index("c")
    row0 = wid * NCHUNK
    base = wid * BPW
    pltpu.sync_copy(uidx_hbm.at[pl.ds(row0, NCHUNK)], uidx_v)
    pltpu.sync_copy(midx_hbm.at[pl.ds(row0, NCHUNK)], midx_v)
    for j in range(NCHUNK):
        for k in range(CHUNK // 16):
            o = k * 16
            uq_v[j, pl.ds(o, 16)] = lax.shift_right_logical(uidx_v[j, pl.ds(o, 16)], 1)
            mq_v[j, pl.ds(o, 16)] = lax.shift_right_logical(midx_v[j, pl.ds(o, 16)], 1)

    usems = (su0, su1)
    msems = (sm0, sm1)

    def fire(j):
        cu = pltpu.async_copy(utab_hbm.at[uq_v.at[j]], ubuf.at[j % 2], usems[j % 2])
        cm = pltpu.async_copy(mtab_hbm.at[mq_v.at[j]], mbuf.at[j % 2], msems[j % 2])
        return cu, cm

    inflight = [fire(0), fire(1)]
    for j in range(NCHUNK):
        cu, cm = inflight[j % 2]
        cu.wait()
        pltpu.sync_copy(ubuf.at[j % 2], uout_hbm.at[pl.ds(base + j * CHUNK, CHUNK)])
        cm.wait()
        pltpu.sync_copy(mbuf.at[j % 2], mout_hbm.at[pl.ds(base + j * CHUNK, CHUNK)])
        if j + 2 < NCHUNK:
            inflight[j % 2] = fire(j + 2)


TILE = 2048
GRID = B // TILE


def _mlp_body(up, mp, paru, parm, w1u, w1m, b1, w2, b2, w3, b3, out):
    ue = jnp.where(paru[...] > 0.5, up[:, EMB:], up[:, :EMB])
    me = jnp.where(parm[...] > 0.5, mp[:, EMB:], mp[:, :EMB])
    h = jnp.dot(ue, w1u[...], preferred_element_type=jnp.float32)
    h = h + jnp.dot(me, w1m[...], preferred_element_type=jnp.float32)
    h = jnp.maximum(h + b1[...], 0.0)
    h = jnp.maximum(jnp.dot(h, w2[...], preferred_element_type=jnp.float32) + b2[...], 0.0)
    o = jnp.dot(h, w3[...], preferred_element_type=jnp.float32) + b3[...]
    out[...] = o[:, 0]


_mlp = pl.pallas_call(
    _mlp_body,
    grid=(GRID,),
    in_specs=[
        pl.BlockSpec((TILE, 2 * EMB), lambda i: (i, 0)),
        pl.BlockSpec((TILE, 2 * EMB), lambda i: (i, 0)),
        pl.BlockSpec((TILE, 1), lambda i: (i, 0)),
        pl.BlockSpec((TILE, 1), lambda i: (i, 0)),
        pl.BlockSpec((EMB, H1), lambda i: (0, 0)),
        pl.BlockSpec((EMB, H1), lambda i: (0, 0)),
        pl.BlockSpec((1, H1), lambda i: (0, 0)),
        pl.BlockSpec((H1, H2), lambda i: (0, 0)),
        pl.BlockSpec((1, H2), lambda i: (0, 0)),
        pl.BlockSpec((H2, 1), lambda i: (0, 0)),
        pl.BlockSpec((1, 1), lambda i: (0, 0)),
    ],
    out_specs=pl.BlockSpec((TILE,), lambda i: (i,)),
    out_shape=jax.ShapeDtypeStruct((B,), jnp.float32),
)


def kernel(user_idx, movie_idx, user_table, movie_table, W1, b1, W2, b2, W3, b3):
    uidx = user_idx.astype(jnp.int32)
    midx = movie_idx.astype(jnp.int32)
    ut2 = user_table.reshape(user_table.shape[0] // 2, 2 * EMB)
    mt2 = movie_table.reshape(movie_table.shape[0] // 2, 2 * EMB)
    up, mp = _sc_gather(uidx.reshape(B // CHUNK, CHUNK),
                        midx.reshape(B // CHUNK, CHUNK), ut2, mt2)
    paru = (uidx & 1).astype(jnp.float32).reshape(B, 1)
    parm = (midx & 1).astype(jnp.float32).reshape(B, 1)
    return _mlp(up, mp, paru, parm, W1[:EMB], W1[EMB:], b1.reshape(1, H1),
                W2, b2.reshape(1, H2), W3, b3.reshape(1, 1))

# --- scband reference (transcript-rebuilt; emitter-appended) ---
"""Pipeline reference for scband-ncfmodel-11467562680639 (READ-ONLY COPY).

The authoritative reference and input builder live on the scoring server;
editing this copy changes nothing except your own understanding.
"""

import jax, jax.numpy as jnp
import numpy as np

NUM_USERS = 1000000
NUM_MOVIES = 100000
EMB = 64
BATCH = 16384

def setup_inputs(seed: int = 0) -> dict:
    key = jax.random.key(seed)
    ks = jax.random.split(key, 12)
    user_idx = jax.random.randint(ks[0], (BATCH,), 0, NUM_USERS, dtype=jnp.int64 if jax.config.jax_enable_x64 else jnp.int32)
    movie_idx = jax.random.randint(ks[1], (BATCH,), 0, NUM_MOVIES, dtype=jnp.int64 if jax.config.jax_enable_x64 else jnp.int32)
    user_table = jax.random.normal(ks[2], (NUM_USERS, EMB), dtype=jnp.float32) * 0.05
    movie_table = jax.random.normal(ks[3], (NUM_MOVIES, EMB), dtype=jnp.float32) * 0.05
    W1 = jax.random.normal(ks[4], (EMB * 2, 128), dtype=jnp.float32) * (1.0 / np.sqrt(EMB * 2))
    b1 = jnp.zeros((128,), dtype=jnp.float32)
    W2 = jax.random.normal(ks[5], (128, 64), dtype=jnp.float32) * (1.0 / np.sqrt(128))
    b2 = jnp.zeros((64,), dtype=jnp.float32)
    W3 = jax.random.normal(ks[6], (64, 1), dtype=jnp.float32) * (1.0 / np.sqrt(64))
    b3 = jnp.zeros((1,), dtype=jnp.float32)
    return {"user_idx": user_idx, "movie_idx": movie_idx, "user_table": user_table, "movie_table": movie_table, "W1": W1, "b1": b1, "W2": W2, "b2": b2, "W3": W3, "b3": b3}

def reference(user_idx, movie_idx, user_table, movie_table, W1, b1, W2, b2, W3, b3):
    user_embed = jnp.take(user_table, user_idx, axis=0)
    movie_embed = jnp.take(movie_table, movie_idx, axis=0)
    x = jnp.concatenate([user_embed, movie_embed], axis=1)
    x = jax.nn.relu(x @ W1 + b1)
    # dropout: identity at inference
    x = jax.nn.relu(x @ W2 + b2)
    out = x @ W3 + b3
    return jnp.squeeze(out, axis=-1)

if __name__ == "__main__":
    import jax
    _d = setup_inputs()
    print(jax.jit(kernel)(*tuple(_d.values())))

</pallas_src>

<mosaic_0001>
#map = affine_map<(d0, d1) -> (0, 0)>
module attributes {stable_mosaic.version = 14 : i64} {
  func.func @_sc_gather(%arg0: i32, %arg1: i32, %arg2: memref<128x128xi32, #tpu.memory_space<hbm>>, %arg3: memref<128x128xi32, #tpu.memory_space<hbm>>, %arg4: memref<500000x128xf32, #tpu.memory_space<hbm>>, %arg5: memref<50000x128xf32, #tpu.memory_space<hbm>>, %arg6: memref<16384x128xf32, #tpu.memory_space<hbm>>, %arg7: memref<16384x128xf32, #tpu.memory_space<hbm>>, %arg8: memref<4x128xi32, #tpu.memory_space<vmem>>, %arg9: memref<4x128xi32, #tpu.memory_space<vmem>>, %arg10: memref<4x128xi32, #tpu.memory_space<vmem>>, %arg11: memref<4x128xi32, #tpu.memory_space<vmem>>, %arg12: memref<2x128x128xf32, #tpu.memory_space<vmem>>, %arg13: memref<2x128x128xf32, #tpu.memory_space<vmem>>, %arg14: memref<!tpu.dma_semaphore, #tpu.memory_space<semaphore_mem>>, %arg15: memref<!tpu.dma_semaphore, #tpu.memory_space<semaphore_mem>>, %arg16: memref<!tpu.dma_semaphore, #tpu.memory_space<semaphore_mem>>, %arg17: memref<!tpu.dma_semaphore, #tpu.memory_space<semaphore_mem>>) attributes {dimension_semantics = [#tpu.dimension_semantics<core_parallel>, #tpu.dimension_semantics<subcore_parallel>], iteration_bounds = array<i64: 2, 16>, scalar_prefetch = 0 : i64, scratch_operands = 10 : i64, tpu.core_type = #tpu.core_type<sc_vector_subcore>, window_params = [{transform_indices = #map}, {transform_indices = #map}, {transform_indices = #map}, {transform_indices = #map}, {transform_indices = #map}, {transform_indices = #map}]} {
    %mul3A = arith.constant 2 : i32
    %mul3A_0 = arith.muli %arg1, %mul3A : i32
    %add3A = arith.addi %mul3A_0, %arg0 : i32
    %mul3A_1 = arith.constant 4 : i32
    %mul3A_2 = arith.muli %add3A, %mul3A_1 : i32
    %mul3A_3 = arith.constant 512 : i32
    %mul3A_4 = arith.muli %add3A, %mul3A_3 : i32
    "tpu.region"() ({
      %run_scoped3A_1111 = tpu.sem_alloc : memref<!tpu.dma_semaphore, #tpu.memory_space<semaphore_mem>>
      %dma_start3A_1112 = arith.constant 0 : i32
      %dma_start3A_1113 = tpu.memref_slice %arg2[%mul3A_2, %dma_start3A_1112] : memref<128x128xi32, #tpu.memory_space<hbm>> -> memref<4x128xi32, #tpu.memory_space<hbm>>
      %dma_start3A_1114 = arith.constant 0 : i32
      %dma_start3A_1115 = tpu.memref_slice %arg2[%mul3A_2, %dma_start3A_1114] : memref<128x128xi32, #tpu.memory_space<hbm>> -> memref<4x128xi32, #tpu.memory_space<hbm>>
      tpu.enqueue_dma source(%dma_start3A_1115 : memref<4x128xi32, #tpu.memory_space<hbm>>) target(%arg8 : memref<4x128xi32, #tpu.memory_space<vmem>>) target_semaphore(%run_scoped3A_1111 : memref<!tpu.dma_semaphore, #tpu.memory_space<semaphore_mem>>)
      %dma_wait3A_1116 = arith.constant 0 : i32
      %dma_wait3A_1117 = tpu.memref_slice %arg2[%mul3A_2, %dma_wait3A_1116] : memref<128x128xi32, #tpu.memory_space<hbm>> -> memref<4x128xi32, #tpu.memory_space<hbm>>
      %dma_wait3A_1118 = arith.constant 0 : i32
      %dma_wait3A_1119 = tpu.memref_slice %arg2[%mul3A_2, %dma_wait3A_1118] : memref<128x128xi32, #tpu.memory_space<hbm>> -> memref<4x128xi32, #tpu.memory_space<hbm>>
      tpu.wait_dma2 semaphore(%run_scoped3A_1111 : memref<!tpu.dma_semaphore, #tpu.memory_space<semaphore_mem>>) src(%dma_wait3A_1119 : memref<4x128xi32, #tpu.memory_space<hbm>>) dst(%arg8 : memref<4x128xi32, #tpu.memory_space<vmem>>)
      tpu.yield
    }) : () -> ()
    "tpu.region"() ({
      %run_scoped3A_1111 = tpu.sem_alloc : memref<!tpu.dma_semaphore, #tpu.memory_space<semaphore_mem>>
      %dma_start3A_1112 = arith.constant 0 : i32
      %dma_start3A_1113 = tpu.memref_slice %arg3[%mul3A_2, %dma_start3A_1112] : memref<128x128xi32, #tpu.memory_space<hbm>> -> memref<4x128xi32, #tpu.memory_space<hbm>>
      %dma_start3A_1114 = arith.constant 0 : i32
      %dma_start3A_1115 = tpu.memref_slice %arg3[%mul3A_2, %dma_start3A_1114] : memref<128x128xi32, #tpu.memory_space<hbm>> -> memref<4x128xi32, #tpu.memory_space<hbm>>
      tpu.enqueue_dma source(%dma_start3A_1115 : memref<4x128xi32, #tpu.memory_space<hbm>>) target(%arg9 : memref<4x128xi32, #tpu.memory_space<vmem>>) target_semaphore(%run_scoped3A_1111 : memref<!tpu.dma_semaphore, #tpu.memory_space<semaphore_mem>>)
      %dma_wait3A_1116 = arith.constant 0 : i32
      %dma_wait3A_1117 = tpu.memref_slice %arg3[%mul3A_2, %dma_wait3A_1116] : memref<128x128xi32, #tpu.memory_space<hbm>> -> memref<4x128xi32, #tpu.memory_space<hbm>>
      %dma_wait3A_1118 = arith.constant 0 : i32
      %dma_wait3A_1119 = tpu.memref_slice %arg3[%mul3A_2, %dma_wait3A_1118] : memref<128x128xi32, #tpu.memory_space<hbm>> -> memref<4x128xi32, #tpu.memory_space<hbm>>
      tpu.wait_dma2 semaphore(%run_scoped3A_1111 : memref<!tpu.dma_semaphore, #tpu.memory_space<semaphore_mem>>) src(%dma_wait3A_1119 : memref<4x128xi32, #tpu.memory_space<hbm>>) dst(%arg9 : memref<4x128xi32, #tpu.memory_space<vmem>>)
      tpu.yield
    }) : () -> ()
    %get3A = arith.constant 0 : i32
    %get3A_5 = arith.index_cast %get3A : i32 to index
    %get3A_6 = arith.constant 0 : index
    %get3A_7 = tpu.vector_load %arg8[%get3A_5, %get3A_6] {strides = array<i32>} : memref<4x128xi32, #tpu.memory_space<vmem>>, vector<1x16xi32>,
    %get3A_8 = vector.shape_cast %get3A_7 : vector<1x16xi32> to vector<16xi32>
    %shift_right_logical3A = arith.constant 1 : i32
    %shift_right_logical3A_9 = vector.broadcast %shift_right_logical3A : i32 to vector<16xi32>
    %shift_right_logical3A_10 = arith.shrui %get3A_8, %shift_right_logical3A_9 : vector<16xi32>
    %swap3A = arith.constant 0 : i32
    %swap3A_11 = arith.index_cast %swap3A : i32 to index
    %swap3A_12 = arith.constant 0 : index
    %swap3A_13 = tpu.vector_load %arg10[%swap3A_11, %swap3A_12] {strides = array<i32>} : memref<4x128xi32, #tpu.memory_space<vmem>>, vector<1x16xi32>,
    %swap3A_14 = vector.shape_cast %swap3A_13 : vector<1x16xi32> to vector<16xi32>
    %swap3A_15 = vector.shape_cast %shift_right_logical3A_10 : vector<16xi32> to vector<1x16xi32>
    tpu.vector_store %arg10[%swap3A_11, %swap3A_12], %swap3A_15 {strides = array<i32>} : memref<4x128xi32, #tpu.memory_space<vmem>>, vector<1x16xi32>,
    %get3A_16 = arith.constant 0 : i32
    %get3A_17 = arith.index_cast %get3A_16 : i32 to index
    %get3A_18 = arith.constant 0 : index
    %get3A_19 = tpu.vector_load %arg9[%get3A_17, %get3A_18] {strides = array<i32>} : memref<4x128xi32, #tpu.memory_space<vmem>>, vector<1x16xi32>,
    %get3A_20 = vector.shape_cast %get3A_19 : vector<1x16xi32> to vector<16xi32>
    %shift_right_logical3A_21 = arith.constant 1 : i32
    %shift_right_logical3A_22 = vector.broadcast %shift_right_logical3A_21 : i32 to vector<16xi32>
    %shift_right_logical3A_23 = arith.shrui %get3A_20, %shift_right_logical3A_22 : vector<16xi32>
    %swap3A_24 = arith.constant 0 : i32
    %swap3A_25 = arith.index_cast %swap3A_24 : i32 to index
    %swap3A_26 = arith.constant 0 : index
    %swap3A_27 = tpu.vector_load %arg11[%swap3A_25, %swap3A_26] {strides = array<i32>} : memref<4x128xi32, #tpu.memory_space<vmem>>, vector<1x16xi32>,
    %swap3A_28 = vector.shape_cast %swap3A_27 : vector<1x16xi32> to vector<16xi32>
    %swap3A_29 = vector.shape_cast %shift_right_logical3A_23 : vector<16xi32> to vector<1x16xi32>
    tpu.vector_store %arg11[%swap3A_25, %swap3A_26], %swap3A_29 {strides = array<i32>} : memref<4x128xi32, #tpu.memory_space<vmem>>, vector<1x16xi32>,
    %get3A_30 = arith.constant 0 : i32
    %get3A_31 = arith.index_cast %get3A_30 : i32 to index
    %get3A_32 = arith.constant 16 : index
    %get3A_33 = tpu.vector_load %arg8[%get3A_31, %get3A_32] {strides = array<i32>} : memref<4x128xi32, #tpu.memory_space<vmem>>, vector<1x16xi32>,
    %get3A_34 = vector.shape_cast %get3A_33 : vector<1x16xi32> to vector<16xi32>
    %shift_right_logical3A_35 = arith.constant 1 : i32
    %shift_right_logical3A_36 = vector.broadcast %shift_right_logical3A_35 : i32 to vector<16xi32>
    %shift_right_logical3A_37 = arith.shrui %get3A_34, %shift_right_logical3A_36 : vector<16xi32>
    %swap3A_38 = arith.constant 0 : i32
    %swap3A_39 = arith.index_cast %swap3A_38 : i32 to index
    %swap3A_40 = arith.constant 16 : index
    %swap3A_41 = tpu.vector_load %arg10[%swap3A_39, %swap3A_40] {strides = array<i32>} : memref<4x128xi32, #tpu.memory_space<vmem>>, vector<1x16xi32>,
    %swap3A_42 = vector.shape_cast %swap3A_41 : vector<1x16xi32> to vector<16xi32>
    %swap3A_43 = vector.shape_cast %shift_right_logical3A_37 : vector<16xi32> to vector<1x16xi32>
    tpu.vector_store %arg10[%swap3A_39, %swap3A_40], %swap3A_43 {strides = array<i32>} : memref<4x128xi32, #tpu.memory_space<vmem>>, vector<1x16xi32>,
    %get3A_44 = arith.constant 0 : i32
    %get3A_45 = arith.index_cast %get3A_44 : i32 to index
    %get3A_46 = arith.constant 16 : index
    %get3A_47 = tpu.vector_load %arg9[%get3A_45, %get3A_46] {strides = array<i32>} : memref<4x128xi32, #tpu.memory_space<vmem>>, vector<1x16xi32>,
    %get3A_48 = vector.shape_cast %get3A_47 : vector<1x16xi32> to vector<16xi32>
    %shift_right_logical3A_49 = arith.constant 1 : i32
    %shift_right_logical3A_50 = vector.broadcast %shift_right_logical3A_49 : i32 to vector<16xi32>
    %shift_right_logical3A_51 = arith.shrui %get3A_48, %shift_right_logical3A_50 : vector<16xi32>
    %swap3A_52 = arith.constant 0 : i32
    %swap3A_53 = arith.index_cast %swap3A_52 : i32 to index
    %swap3A_54 = arith.constant 16 : index
    %swap3A_55 = tpu.vector_load %arg11[%swap3A_53, %swap3A_54] {strides = array<i32>} : memref<4x128xi32, #tpu.memory_space<vmem>>, vector<1x16xi32>,
    %swap3A_56 = vector.shape_cast %swap3A_55 : vector<1x16xi32> to vector<16xi32>
    %swap3A_57 = vector.shape_cast %shift_right_logical3A_51 : vector<16xi32> to vector<1x16xi32>
    tpu.vector_store %arg11[%swap3A_53, %swap3A_54], %swap3A_57 {strides = array<i32>} : memref<4x128xi32, #tpu.memory_space<vmem>>, vector<1x16xi32>,
    %get3A_58 = arith.constant 0 : i32
    %get3A_59 = arith.index_cast %get3A_58 : i32 to index
    %get3A_60 = arith.constant 32 : index
    %get3A_61 = tpu.vector_load %arg8[%get3A_59, %get3A_60] {strides = array<i32>} : memref<4x128xi32, #tpu.memory_space<vmem>>, vector<1x16xi32>,
    %get3A_62 = vector.shape_cast %get3A_61 : vector<1x16xi32> to vector<16xi32>
    %shift_right_logical3A_63 = arith.constant 1 : i32
    %shift_right_logical3A_64 = vector.broadcast %shift_right_logical3A_63 : i32 to vector<16xi32>
    %shift_right_logical3A_65 = arith.shrui %get3A_62, %shift_right_logical3A_64 : vector<16xi32>
    %swap3A_66 = arith.constant 0 : i32
    %swap3A_67 = arith.index_cast %swap3A_66 : i32 to index
    %swap3A_68 = arith.constant 32 : index
    %swap3A_69 = tpu.vector_load %arg10[%swap3A_67, %swap3A_68] {strides = array<i32>} : memref<4x128xi32, #tpu.memory_space<vmem>>, vector<1x16xi32>,
    %swap3A_70 = vector.shape_cast %swap3A_69 : vector<1x16xi32> to vector<16xi32>
    %swap3A_71 = vector.shape_cast %shift_right_logical3A_65 : vector<16xi32> to vector<1x16xi32>
    tpu.vector_store %arg10[%swap3A_67, %swap3A_68], %swap3A_71 {strides = array<i32>} : memref<4x128xi32, #tpu.memory_space<vmem>>, vector<1x16xi32>,
    %get3A_72 = arith.constant 0 : i32
    %get3A_73 = arith.index_cast %get3A_72 : i32 to index
    %get3A_74 = arith.constant 32 : index
    %get3A_75 = tpu.vector_load %arg9[%get3A_73, %get3A_74] {strides = array<i32>} : memref<4x128xi32, #tpu.memory_space<vmem>>, vector<1x16xi32>,
    %get3A_76 = vector.shape_cast %get3A_75 : vector<1x16xi32> to vector<16xi32>
    %shift_right_logical3A_77 = arith.constant 1 : i32
    %shift_right_logical3A_78 = vector.broadcast %shift_right_logical3A_77 : i32 to vector<16xi32>
    %shift_right_logical3A_79 = arith.shrui %get3A_76, %shift_right_logical3A_78 : vector<16xi32>
    %swap3A_80 = arith.constant 0 : i32
    %swap3A_81 = arith.index_cast %swap3A_80 : i32 to index
    %swap3A_82 = arith.constant 32 : index
    %swap3A_83 = tpu.vector_load %arg11[%swap3A_81, %swap3A_82] {strides = array<i32>} : memref<4x128xi32, #tpu.memory_space<vmem>>, vector<1x16xi32>,
    %swap3A_84 = vector.shape_cast %swap3A_83 : vector<1x16xi32> to vector<16xi32>
    %swap3A_85 = vector.shape_cast %shift_right_logical3A_79 : vector<16xi32> to vector<1x16xi32>
    tpu.vector_store %arg11[%swap3A_81, %swap3A_82], %swap3A_85 {strides = array<i32>} : memref<4x128xi32, #tpu.memory_space<vmem>>, vector<1x16xi32>,
    %get3A_86 = arith.constant 0 : i32
    %get3A_87 = arith.index_cast %get3A_86 : i32 to index
    %get3A_88 = arith.constant 48 : index
    %get3A_89 = tpu.vector_load %arg8[%get3A_87, %get3A_88] {strides = array<i32>} : memref<4x128xi32, #tpu.memory_space<vmem>>, vector<1x16xi32>,
    %get3A_90 = vector.shape_cast %get3A_89 : vector<1x16xi32> to vector<16xi32>
    %shift_right_logical3A_91 = arith.constant 1 : i32
    %shift_right_logical3A_92 = vector.broadcast %shift_right_logical3A_91 : i32 to vector<16xi32>
    %shift_right_logical3A_93 = arith.shrui %get3A_90, %shift_right_logical3A_92 : vector<16xi32>
    %swap3A_94 = arith.constant 0 : i32
    %swap3A_95 = arith.index_cast %swap3A_94 : i32 to index
    %swap3A_96 = arith.constant 48 : index
    %swap3A_97 = tpu.vector_load %arg10[%swap3A_95, %swap3A_96] {strides = array<i32>} : memref<4x128xi32, #tpu.memory_space<vmem>>, vector<1x16xi32>,
    %swap3A_98 = vector.shape_cast %swap3A_97 : vector<1x16xi32> to vector<16xi32>
    %swap3A_99 = vector.shape_cast %shift_right_logical3A_93 : vector<16xi32> to vector<1x16xi32>
    tpu.vector_store %arg10[%swap3A_95, %swap3A_96], %swap3A_99 {strides = array<i32>} : memref<4x128xi32, #tpu.memory_space<vmem>>, vector<1x16xi32>,
    %get3A_100 = arith.constant 0 : i32
    %get3A_101 = arith.index_cast %get3A_100 : i32 to index
    %get3A_102 = arith.constant 48 : index
    %get3A_103 = tpu.vector_load %arg9[%get3A_101, %get3A_102] {strides = array<i32>} : memref<4x128xi32, #tpu.memory_space<vmem>>, vector<1x16xi32>,
    %get3A_104 = vector.shape_cast %get3A_103 : vector<1x16xi32> to vector<16xi32>
    %shift_right_logical3A_105 = arith.constant 1 : i32
    %shift_right_logical3A_106 = vector.broadcast %shift_right_logical3A_105 : i32 to vector<16xi32>
    %shift_right_logical3A_107 = arith.shrui %get3A_104, %shift_right_logical3A_106 : vector<16xi32>
    %swap3A_108 = arith.constant 0 : i32
    %swap3A_109 = arith.index_cast %swap3A_108 : i32 to index
    %swap3A_110 = arith.constant 48 : index
    %swap3A_111 = tpu.vector_load %arg11[%swap3A_109, %swap3A_110] {strides = array<i32>} : memref<4x128xi32, #tpu.memory_space<vmem>>, vector<1x16xi32>,
    %swap3A_112 = vector.shape_cast %swap3A_111 : vector<1x16xi32> to vector<16xi32>
    %swap3A_113 = vector.shape_cast %shift_right_logical3A_107 : vector<16xi32> to vector<1x16xi32>
    tpu.vector_store %arg11[%swap3A_109, %swap3A_110], %swap3A_113 {strides = array<i32>} : memref<4x128xi32, #tpu.memory_space<vmem>>, vector<1x16xi32>,
    %get3A_114 = arith.constant 0 : i32
    %get3A_115 = arith.index_cast %get3A_114 : i32 to index
    %get3A_116 = arith.constant 64 : index
    %get3A_117 = tpu.vector_load %arg8[%get3A_115, %get3A_116] {strides = array<i32>} : memref<4x128xi32, #tpu.memory_space<vmem>>, vector<1x16xi32>,
    %get3A_118 = vector.shape_cast %get3A_117 : vector<1x16xi32> to vector<16xi32>
    %shift_right_logical3A_119 = arith.constant 1 : i32
    %shift_right_logical3A_120 = vector.broadcast %shift_right_logical3A_119 : i32 to vector<16xi32>
    %shift_right_logical3A_121 = arith.shrui %get3A_118, %shift_right_logical3A_120 : vector<16xi32>
    %swap3A_122 = arith.constant 0 : i32
    %swap3A_123 = arith.index_cast %swap3A_122 : i32 to index
    %swap3A_124 = arith.constant 64 : index
    %swap3A_125 = tpu.vector_load %arg10[%swap3A_123, %swap3A_124] {strides = array<i32>} : memref<4x128xi32, #tpu.memory_space<vmem>>, vector<1x16xi32>,
    %swap3A_126 = vector.shape_cast %swap3A_125 : vector<1x16xi32> to vector<16xi32>
    %swap3A_127 = vector.shape_cast %shift_right_logical3A_121 : vector<16xi32> to vector<1x16xi32>
    tpu.vector_store %arg10[%swap3A_123, %swap3A_124], %swap3A_127 {strides = array<i32>} : memref<4x128xi32, #tpu.memory_space<vmem>>, vector<1x16xi32>,
    %get3A_128 = arith.constant 0 : i32
    %get3A_129 = arith.index_cast %get3A_128 : i32 to index
    %get3A_130 = arith.constant 64 : index
    %get3A_131 = tpu.vector_load %arg9[%get3A_129, %get3A_130] {strides = array<i32>} : memref<4x128xi32, #tpu.memory_space<vmem>>, vector<1x16xi32>,
    %get3A_132 = vector.shape_cast %get3A_131 : vector<1x16xi32> to vector<16xi32>
    %shift_right_logical3A_133 = arith.constant 1 : i32
    %shift_right_logical3A_134 = vector.broadcast %shift_right_logical3A_133 : i32 to vector<16xi32>
    %shift_right_logical3A_135 = arith.shrui %get3A_132, %shift_right_logical3A_134 : vector<16xi32>
    %swap3A_136 = arith.constant 0 : i32
    %swap3A_137 = arith.index_cast %swap3A_136 : i32 to index
    %swap3A_138 = arith.constant 64 : index
    %swap3A_139 = tpu.vector_load %arg11[%swap3A_137, %swap3A_138] {strides = array<i32>} : memref<4x128xi32, #tpu.memory_space<vmem>>, vector<1x16xi32>,
    %swap3A_140 = vector.shape_cast %swap3A_139 : vector<1x16xi32> to vector<16xi32>
    %swap3A_141 = vector.shape_cast %shift_right_logical3A_135 : vector<16xi32> to vector<1x16xi32>
    tpu.vector_store %arg11[%swap3A_137, %swap3A_138], %swap3A_141 {strides = array<i32>} : memref<4x128xi32, #tpu.memory_space<vmem>>, vector<1x16xi32>,
    %get3A_142 = arith.constant 0 : i32
    %get3A_143 = arith.index_cast %get3A_142 : i32 to index
    %get3A_144 = arith.constant 80 : index
    %get3A_145 = tpu.vector_load %arg8[%get3A_143, %get3A_144] {strides = array<i32>} : memref<4x128xi32, #tpu.memory_space<vmem>>, vector<1x16xi32>,
    %get3A_146 = vector.shape_cast %get3A_145 : vector<1x16xi32> to vector<16xi32>
    %shift_right_logical3A_147 = arith.constant 1 : i32
    %shift_right_logical3A_148 = vector.broadcast %shift_right_logical3A_147 : i32 to vector<16xi32>
    %shift_right_logical3A_149 = arith.shrui %get3A_146, %shift_right_logical3A_148 : vector<16xi32>
    %swap3A_150 = arith.constant 0 : i32
    %swap3A_151 = arith.index_cast %swap3A_150 : i32 to index
    %swap3A_152 = arith.constant 80 : index
    %swap3A_153 = tpu.vector_load %arg10[%swap3A_151, %swap3A_152] {strides = array<i32>} : memref<4x128xi32, #tpu.memory_space<vmem>>, vector<1x16xi32>,
    %swap3A_154 = vector.shape_cast %swap3A_153 : vector<1x16xi32> to vector<16xi32>
    %swap3A_155 = vector.shape_cast %shift_right_logical3A_149 : vector<16xi32> to vector<1x16xi32>
    tpu.vector_store %arg10[%swap3A_151, %swap3A_152], %swap3A_155 {strides = array<i32>} : memref<4x128xi32, #tpu.memory_space<vmem>>, vector<1x16xi32>,
    %get3A_156 = arith.constant 0 : i32
    %get3A_157 = arith.index_cast %get3A_156 : i32 to index
    %get3A_158 = arith.constant 80 : index
    %get3A_159 = tpu.vector_load %arg9[%get3A_157, %get3A_158] {strides = array<i32>} : memref<4x128xi32, #tpu.memory_space<vmem>>, vector<1x16xi32>,
    %get3A_160 = vector.shape_cast %get3A_159 : vector<1x16xi32> to vector<16xi32>
    %shift_right_logical3A_161 = arith.constant 1 : i32
    %shift_right_logical3A_162 = vector.broadcast %shift_right_logical3A_161 : i32 to vector<16xi32>
    %shift_right_logical3A_163 = arith.shrui %get3A_160, %shift_right_logical3A_162 : vector<16xi32>
    %swap3A_164 = arith.constant 0 : i32
    %swap3A_165 = arith.index_cast %swap3A_164 : i32 to index
    %swap3A_166 = arith.constant 80 : index
    %swap3A_167 = tpu.vector_load %arg11[%swap3A_165, %swap3A_166] {strides = array<i32>} : memref<4x128xi32, #tpu.memory_space<vmem>>, vector<1x16xi32>,
    %swap3A_168 = vector.shape_cast %swap3A_167 : vector<1x16xi32> to vector<16xi32>
    %swap3A_169 = vector.shape_cast %shift_right_logical3A_163 : vector<16xi32> to vector<1x16xi32>
    tpu.vector_store %arg11[%swap3A_165, %swap3A_166], %swap3A_169 {strides = array<i32>} : memref<4x128xi32, #tpu.memory_space<vmem>>, vector<1x16xi32>,
    %get3A_170 = arith.constant 0 : i32
    %get3A_171 = arith.index_cast %get3A_170 : i32 to index
    %get3A_172 = arith.constant 96 : index
    %get3A_173 = tpu.vector_load %arg8[%get3A_171, %get3A_172] {strides = array<i32>} : memref<4x128xi32, #tpu.memory_space<vmem>>, vector<1x16xi32>,
    %get3A_174 = vector.shape_cast %get3A_173 : vector<1x16xi32> to vector<16xi32>
    %shift_right_logical3A_175 = arith.constant 1 : i32
    %shift_right_logical3A_176 = vector.broadcast %shift_right_logical3A_175 : i32 to vector<16xi32>
    %shift_right_logical3A_177 = arith.shrui %get3A_174, %shift_right_logical3A_176 : vector<16xi32>
    %swap3A_178 = arith.constant 0 : i32
    %swap3A_179 = arith.index_cast %swap3A_178 : i32 to index
    %swap3A_180 = arith.constant 96 : index
    %swap3A_181 = tpu.vector_load %arg10[%swap3A_179, %swap3A_180] {strides = array<i32>} : memref<4x128xi32, #tpu.memory_space<vmem>>, vector<1x16xi32>,
    %swap3A_182 = vector.shape_cast %swap3A_181 : vector<1x16xi32> to vector<16xi32>
    %swap3A_183 = vector.shape_cast %shift_right_logical3A_177 : vector<16xi32> to vector<1x16xi32>
    tpu.vector_store %arg10[%swap3A_179, %swap3A_180], %swap3A_183 {strides = array<i32>} : memref<4x128xi32, #tpu.memory_space<vmem>>, vector<1x16xi32>,
    %get3A_184 = arith.constant 0 : i32
    %get3A_185 = arith.index_cast %get3A_184 : i32 to index
    %get3A_186 = arith.constant 96 : index
    %get3A_187 = tpu.vector_load %arg9[%get3A_185, %get3A_186] {strides = array<i32>} : memref<4x128xi32, #tpu.memory_space<vmem>>, vector<1x16xi32>,
    %get3A_188 = vector.shape_cast %get3A_187 : vector<1x16xi32> to vector<16xi32>
    %shift_right_logical3A_189 = arith.constant 1 : i32
    %shift_right_logical3A_190 = vector.broadcast %shift_right_logical3A_189 : i32 to vector<16xi32>
    %shift_right_logical3A_191 = arith.shrui %get3A_188, %shift_right_logical3A_190 : vector<16xi32>
    %swap3A_192 = arith.constant 0 : i32
    %swap3A_193 = arith.index_cast %swap3A_192 : i32 to index
    %swap3A_194 = arith.constant 96 : index
    %swap3A_195 = tpu.vector_load %arg11[%swap3A_193, %swap3A_194] {strides = array<i32>} : memref<4x128xi32, #tpu.memory_space<vmem>>, vector<1x16xi32>,
    %swap3A_196 = vector.shape_cast %swap3A_195 : vector<1x16xi32> to vector<16xi32>
    %swap3A_197 = vector.shape_cast %shift_right_logical3A_191 : vector<16xi32> to vector<1x16xi32>
    tpu.vector_store %arg11[%swap3A_193, %swap3A_194], %swap3A_197 {strides = array<i32>} : memref<4x128xi32, #tpu.memory_space<vmem>>, vector<1x16xi32>,
    %get3A_198 = arith.constant 0 : i32
    %get3A_199 = arith.index_cast %get3A_198 : i32 to index
    %get3A_200 = arith.constant 112 : index
    %get3A_201 = tpu.vector_load %arg8[%get3A_199, %get3A_200] {strides = array<i32>} : memref<4x128xi32, #tpu.memory_space<vmem>>, vector<1x16xi32>,
    %get3A_202 = vector.shape_cast %get3A_201 : vector<1x16xi32> to vector<16xi32>
    %shift_right_logical3A_203 = arith.constant 1 : i32
    %shift_right_logical3A_204 = vector.broadcast %shift_right_logical3A_203 : i32 to vector<16xi32>
    %shift_right_logical3A_205 = arith.shrui %get3A_202, %shift_right_logical3A_204 : vector<16xi32>
    %swap3A_206 = arith.constant 0 : i32
    %swap3A_207 = arith.index_cast %swap3A_206 : i32 to index
    %swap3A_208 = arith.constant 112 : index
    %swap3A_209 = tpu.vector_load %arg10[%swap3A_207, %swap3A_208] {strides = array<i32>} : memref<4x128xi32, #tpu.memory_space<vmem>>, vector<1x16xi32>,
    %swap3A_210 = vector.shape_cast %swap3A_209 : vector<1x16xi32> to vector<16xi32>
    %swap3A_211 = vector.shape_cast %shift_right_logical3A_205 : vector<16xi32> to vector<1x16xi32>
    tpu.vector_store %arg10[%swap3A_207, %swap3A_208], %swap3A_211 {strides = array<i32>} : memref<4x128xi32, #tpu.memory_space<vmem>>, vector<1x16xi32>,
    %get3A_212 = arith.constant 0 : i32
    %get3A_213 = arith.index_cast %get3A_212 : i32 to index
    %get3A_214 = arith.constant 112 : index
    %get3A_215 = tpu.vector_load %arg9[%get3A_213, %get3A_214] {strides = array<i32>} : memref<4x128xi32, #tpu.memory_space<vmem>>, vector<1x16xi32>,
    %get3A_216 = vector.shape_cast %get3A_215 : vector<1x16xi32> to vector<16xi32>
    %shift_right_logical3A_217 = arith.constant 1 : i32
    %shift_right_logical3A_218 = vector.broadcast %shift_right_logical3A_217 : i32 to vector<16xi32>
    %shift_right_logical3A_219 = arith.shrui %get3A_216, %shift_right_logical3A_218 : vector<16xi32>
    %swap3A_220 = arith.constant 0 : i32
    %swap3A_221 = arith.index_cast %swap3A_220 : i32 to index
    %swap3A_222 = arith.constant 112 : index
    %swap3A_223 = tpu.vector_load %arg11[%swap3A_221, %swap3A_222] {strides = array<i32>} : memref<4x128xi32, #tpu.memory_space<vmem>>, vector<1x16xi32>,
    %swap3A_224 = vector.shape_cast %swap3A_223 : vector<1x16xi32> to vector<16xi32>
    %swap3A_225 = vector.shape_cast %shift_right_logical3A_219 : vector<16xi32> to vector<1x16xi32>
    tpu.vector_store %arg11[%swap3A_221, %swap3A_222], %swap3A_225 {strides = array<i32>} : memref<4x128xi32, #tpu.memory_space<vmem>>, vector<1x16xi32>,
    %get3A_226 = arith.constant 1 : i32
    %get3A_227 = arith.index_cast %get3A_226 : i32 to index
    %get3A_228 = arith.constant 0 : index
    %get3A_229 = tpu.vector_load %arg8[%get3A_227, %get3A_228] {strides = array<i32>} : memref<4x128xi32, #tpu.memory_space<vmem>>, vector<1x16xi32>,
    %get3A_230 = vector.shape_cast %get3A_229 : vector<1x16xi32> to vector<16xi32>
    %shift_right_logical3A_231 = arith.constant 1 : i32
    %shift_right_logical3A_232 = vector.broadcast %shift_right_logical3A_231 : i32 to vector<16xi32>
    %shift_right_logical3A_233 = arith.shrui %get3A_230, %shift_right_logical3A_232 : vector<16xi32>
    %swap3A_234 = arith.constant 1 : i32
    %swap3A_235 = arith.index_cast %swap3A_234 : i32 to index
    %swap3A_236 = arith.constant 0 : index
    %swap3A_237 = tpu.vector_load %arg10[%swap3A_235, %swap3A_236] {strides = array<i32>} : memref<4x128xi32, #tpu.memory_space<vmem>>, vector<1x16xi32>,
    %swap3A_238 = vector.shape_cast %swap3A_237 : vector<1x16xi32> to vector<16xi32>
    %swap3A_239 = vector.shape_cast %shift_right_logical3A_233 : vector<16xi32> to vector<1x16xi32>
    tpu.vector_store %arg10[%swap3A_235, %swap3A_236], %swap3A_239 {strides = array<i32>} : memref<4x128xi32, #tpu.memory_space<vmem>>, vector<1x16xi32>,
    %get3A_240 = arith.constant 1 : i32
    %get3A_241 = arith.index_cast %get3A_240 : i32 to index
    %get3A_242 = arith.constant 0 : index
    %get3A_243 = tpu.vector_load %arg9[%get3A_241, %get3A_242] {strides = array<i32>} : memref<4x128xi32, #tpu.memory_space<vmem>>, vector<1x16xi32>,
    %get3A_244 = vector.shape_cast %get3A_243 : vector<1x16xi32> to vector<16xi32>
    %shift_right_logical3A_245 = arith.constant 1 : i32
    %shift_right_logical3A_246 = vector.broadcast %shift_right_logical3A_245 : i32 to vector<16xi32>
    %shift_right_logical3A_247 = arith.shrui %get3A_244, %shift_right_logical3A_246 : vector<16xi32>
    %swap3A_248 = arith.constant 1 : i32
    %swap3A_249 = arith.index_cast %swap3A_248 : i32 to index
    %swap3A_250 = arith.constant 0 : index
    %swap3A_251 = tpu.vector_load %arg11[%swap3A_249, %swap3A_250] {strides = array<i32>} : memref<4x128xi32, #tpu.memory_space<vmem>>, vector<1x16xi32>,
    %swap3A_252 = vector.shape_cast %swap3A_251 : vector<1x16xi32> to vector<16xi32>
    %swap3A_253 = vector.shape_cast %shift_right_logical3A_247 : vector<16xi32> to vector<1x16xi32>
    tpu.vector_store %arg11[%swap3A_249, %swap3A_250], %swap3A_253 {strides = array<i32>} : memref<4x128xi32, #tpu.memory_space<vmem>>, vector<1x16xi32>,
    %get3A_254 = arith.constant 1 : i32
    %get3A_255 = arith.index_cast %get3A_254 : i32 to index
    %get3A_256 = arith.constant 16 : index
    %get3A_257 = tpu.vector_load %arg8[%get3A_255, %get3A_256] {strides = array<i32>} : memref<4x128xi32, #tpu.memory_space<vmem>>, vector<1x16xi32>,
    %get3A_258 = vector.shape_cast %get3A_257 : vector<1x16xi32> to vector<16xi32>
    %shift_right_logical3A_259 = arith.constant 1 : i32
    %shift_right_logical3A_260 = vector.broadcast %shift_right_logical3A_259 : i32 to vector<16xi32>
    %shift_right_logical3A_261 = arith.shrui %get3A_258, %shift_right_logical3A_260 : vector<16xi32>
    %swap3A_262 = arith.constant 1 : i32
    %swap3A_263 = arith.index_cast %swap3A_262 : i32 to index
    %swap3A_264 = arith.constant 16 : index
    %swap3A_265 = tpu.vector_load %arg10[%swap3A_263, %swap3A_264] {strides = array<i32>} : memref<4x128xi32, #tpu.memory_space<vmem>>, vector<1x16xi32>,
    %swap3A_266 = vector.shape_cast %swap3A_265 : vector<1x16xi32> to vector<16xi32>
    %swap3A_267 = vector.shape_cast %shift_right_logical3A_261 : vector<16xi32> to vector<1x16xi32>
    tpu.vector_store %arg10[%swap3A_263, %swap3A_264], %swap3A_267 {strides = array<i32>} : memref<4x128xi32, #tpu.memory_space<vmem>>, vector<1x16xi32>,
    %get3A_268 = arith.constant 1 : i32
    %get3A_269 = arith.index_cast %get3A_268 : i32 to index
    %get3A_270 = arith.constant 16 : index
    %get3A_271 = tpu.vector_load %arg9[%get3A_269, %get3A_270] {strides = array<i32>} : memref<4x128xi32, #tpu.memory_space<vmem>>, vector<1x16xi32>,
    %get3A_272 = vector.shape_cast %get3A_271 : vector<1x16xi32> to vector<16xi32>
    %shift_right_logical3A_273 = arith.constant 1 : i32
    %shift_right_logical3A_274 = vector.broadcast %shift_right_logical3A_273 : i32 to vector<16xi32>
    %shift_right_logical3A_275 = arith.shrui %get3A_272, %shift_right_logical3A_274 : vector<16xi32>
    %swap3A_276 = arith.constant 1 : i32
    %swap3A_277 = arith.index_cast %swap3A_276 : i32 to index
    %swap3A_278 = arith.constant 16 : index
    %swap3A_279 = tpu.vector_load %arg11[%swap3A_277, %swap3A_278] {strides = array<i32>} : memref<4x128xi32, #tpu.memory_space<vmem>>, vector<1x16xi32>,
    %swap3A_280 = vector.shape_cast %swap3A_279 : vector<1x16xi32> to vector<16xi32>
    %swap3A_281 = vector.shape_cast %shift_right_logical3A_275 : vector<16xi32> to vector<1x16xi32>
    tpu.vector_store %arg11[%swap3A_277, %swap3A_278], %swap3A_281 {strides = array<i32>} : memref<4x128xi32, #tpu.memory_space<vmem>>, vector<1x16xi32>,
    %get3A_282 = arith.constant 1 : i32
    %get3A_283 = arith.index_cast %get3A_282 : i32 to index
    %get3A_284 = arith.constant 32 : index
    %get3A_285 = tpu.vector_load %arg8[%get3A_283, %get3A_284] {strides = array<i32>} : memref<4x128xi32, #tpu.memory_space<vmem>>, vector<1x16xi32>,
    %get3A_286 = vector.shape_cast %get3A_285 : vector<1x16xi32> to vector<16xi32>
    %shift_right_logical3A_287 = arith.constant 1 : i32
    %shift_right_logical3A_288 = vector.broadcast %shift_right_logical3A_287 : i32 to vector<16xi32>
    %shift_right_logical3A_289 = arith.shrui %get3A_286, %shift_right_logical3A_288 : vector<16xi32>
    %swap3A_290 = arith.constant 1 : i32
    %swap3A_291 = arith.index_cast %swap3A_290 : i32 to index
    %swap3A_292 = arith.constant 32 : index
    %swap3A_293 = tpu.vector_load %arg10[%swap3A_291, %swap3A_292] {strides = array<i32>} : memref<4x128xi32, #tpu.memory_space<vmem>>, vector<1x16xi32>,
    %swap3A_294 = vector.shape_cast %swap3A_293 : vector<1x16xi32> to vector<16xi32>
    %swap3A_295 = vector.shape_cast %shift_right_logical3A_289 : vector<16xi32> to vector<1x16xi32>
    tpu.vector_store %arg10[%swap3A_291, %swap3A_292], %swap3A_295 {strides = array<i32>} : memref<4x128xi32, #tpu.memory_space<vmem>>, vector<1x16xi32>,
    %get3A_296 = arith.constant 1 : i32
    %get3A_297 = arith.index_cast %get3A_296 : i32 to index
    %get3A_298 = arith.constant 32 : index
    %get3A_299 = tpu.vector_load %arg9[%get3A_297, %get3A_298] {strides = array<i32>} : memref<4x128xi32, #tpu.memory_space<vmem>>, vector<1x16xi32>,
    %get3A_300 = vector.shape_cast %get3A_299 : vector<1x16xi32> to vector<16xi32>
    %shift_right_logical3A_301 = arith.constant 1 : i32
    %shift_right_logical3A_302 = vector.broadcast %shift_right_logical3A_301 : i32 to vector<16xi32>
    %shift_right_logical3A_303 = arith.shrui %get3A_300, %shift_right_logical3A_302 : vector<16xi32>
    %swap3A_304 = arith.constant 1 : i32
    %swap3A_305 = arith.index_cast %swap3A_304 : i32 to index
    %swap3A_306 = arith.constant 32 : index
    %swap3A_307 = tpu.vector_load %arg11[%swap3A_305, %swap3A_306] {strides = array<i32>} : memref<4x128xi32, #tpu.memory_space<vmem>>, vector<1x16xi32>,
    %swap3A_308 = vector.shape_cast %swap3A_307 : vector<1x16xi32> to vector<16xi32>
    %swap3A_309 = vector.shape_cast %shift_right_logical3A_303 : vector<16xi32> to vector<1x16xi32>
    tpu.vector_store %arg11[%swap3A_305, %swap3A_306], %swap3A_309 {strides = array<i32>} : memref<4x128xi32, #tpu.memory_space<vmem>>, vector<1x16xi32>,
    %get3A_310 = arith.constant 1 : i32
    %get3A_311 = arith.index_cast %get3A_310 : i32 to index
    %get3A_312 = arith.constant 48 : index
    %get3A_313 = tpu.vector_load %arg8[%get3A_311, %get3A_312] {strides = array<i32>} : memref<4x128xi32, #tpu.memory_space<vmem>>, vector<1x16xi32>,
    %get3A_314 = vector.shape_cast %get3A_313 : vector<1x16xi32> to vector<16xi32>
    %shift_right_logical3A_315 = arith.constant 1 : i32
    %shift_right_logical3A_316 = vector.broadcast %shift_right_logical3A_315 : i32 to vector<16xi32>
    %shift_right_logical3A_317 = arith.shrui %get3A_314, %shift_right_logical3A_316 : vector<16xi32>
    %swap3A_318 = arith.constant 1 : i32
    %swap3A_319 = arith.index_cast %swap3A_318 : i32 to index
    %swap3A_320 = arith.constant 48 : index
    %swap3A_321 = tpu.vector_load %arg10[%swap3A_319, %swap3A_320] {strides = array<i32>} : memref<4x128xi32, #tpu.memory_space<vmem>>, vector<1x16xi32>,
    %swap3A_322 = vector.shape_cast %swap3A_321 : vector<1x16xi32> to vector<16xi32>
    %swap3A_323 = vector.shape_cast %shift_right_logical3A_317 : vector<16xi32> to vector<1x16xi32>
    tpu.vector_store %arg10[%swap3A_319, %swap3A_320], %swap3A_323 {strides = array<i32>} : memref<4x128xi32, #tpu.memory_space<vmem>>, vector<1x16xi32>,
    %get3A_324 = arith.constant 1 : i32
    %get3A_325 = arith.index_cast %get3A_324 : i32 to index
    %get3A_326 = arith.constant 48 : index
    %get3A_327 = tpu.vector_load %arg9[%get3A_325, %get3A_326] {strides = array<i32>} : memref<4x128xi32, #tpu.memory_space<vmem>>, vector<1x16xi32>,
    %get3A_328 = vector.shape_cast %get3A_327 : vector<1x16xi32> to vector<16xi32>
    %shift_right_logical3A_329 = arith.constant 1 : i32
    %shift_right_logical3A_330 = vector.broadcast %shift_right_logical3A_329 : i32 to vector<16xi32>
    %shift_right_logical3A_331 = arith.shrui %get3A_328, %shift_right_logical3A_330 : vector<16xi32>
    %swap3A_332 = arith.constant 1 : i32
    %swap3A_333 = arith.index_cast %swap3A_332 : i32 to index
    %swap3A_334 = arith.constant 48 : index
    %swap3A_335 = tpu.vector_load %arg11[%swap3A_333, %swap3A_334] {strides = array<i32>} : memref<4x128xi32, #tpu.memory_space<vmem>>, vector<1x16xi32>,
    %swap3A_336 = vector.shape_cast %swap3A_335 : vector<1x16xi32> to vector<16xi32>
    %swap3A_337 = vector.shape_cast %shift_right_logical3A_331 : vector<16xi32> to vector<1x16xi32>
    tpu.vector_store %arg11[%swap3A_333, %swap3A_334], %swap3A_337 {strides = array<i32>} : memref<4x128xi32, #tpu.memory_space<vmem>>, vector<1x16xi32>,
    %get3A_338 = arith.constant 1 : i32
    %get3A_339 = arith.index_cast %get3A_338 : i32 to index
    %get3A_340 = arith.constant 64 : index
    %get3A_341 = tpu.vector_load %arg8[%get3A_339, %get3A_340] {strides = array<i32>} : memref<4x128xi32, #tpu.memory_space<vmem>>, vector<1x16xi32>,
    %get3A_342 = vector.shape_cast %get3A_341 : vector<1x16xi32> to vector<16xi32>
    %shift_right_logical3A_343 = arith.constant 1 : i32
    %shift_right_logical3A_344 = vector.broadcast %shift_right_logical3A_343 : i32 to vector<16xi32>
    %shift_right_logical3A_345 = arith.shrui %get3A_342, %shift_right_logical3A_344 : vector<16xi32>
    %swap3A_346 = arith.constant 1 : i32
    %swap3A_347 = arith.index_cast %swap3A_346 : i32 to index
    %swap3A_348 = arith.constant 64 : index
    %swap3A_349 = tpu.vector_load %arg10[%swap3A_347, %swap3A_348] {strides = array<i32>} : memref<4x128xi32, #tpu.memory_space<vmem>>, vector<1x16xi32>,
    %swap3A_350 = vector.shape_cast %swap3A_349 : vector<1x16xi32> to vector<16xi32>
    %swap3A_351 = vector.shape_cast %shift_right_logical3A_345 : vector<16xi32> to vector<1x16xi32>
    tpu.vector_store %arg10[%swap3A_347, %swap3A_348], %swap3A_351 {strides = array<i32>} : memref<4x128xi32, #tpu.memory_space<vmem>>, vector<1x16xi32>,
    %get3A_352 = arith.constant 1 : i32
    %get3A_353 = arith.index_cast %get3A_352 : i32 to index
    %get3A_354 = arith.constant 64 : index
    %get3A_355 = tpu.vector_load %arg9[%get3A_353, %get3A_354] {strides = array<i32>} : memref<4x128xi32, #tpu.memory_space<vmem>>, vector<1x16xi32>,
    %get3A_356 = vector.shape_cast %get3A_355 : vector<1x16xi32> to vector<16xi32>
    %shift_right_logical3A_357 = arith.constant 1 : i32
    %shift_right_logical3A_358 = vector.broadcast %shift_right_logical3A_357 : i32 to vector<16xi32>
    %shift_right_logical3A_359 = arith.shrui %get3A_356, %shift_right_logical3A_358 : vector<16xi32>
    %swap3A_360 = arith.constant 1 : i32
    %swap3A_361 = arith.index_cast %swap3A_360 : i32 to index
    %swap3A_362 = arith.constant 64 : index
    %swap3A_363 = tpu.vector_load %arg11[%swap3A_361, %swap3A_362] {strides = array<i32>} : memref<4x128xi32, #tpu.memory_space<vmem>>, vector<1x16xi32>,
    %swap3A_364 = vector.shape_cast %swap3A_363 : vector<1x16xi32> to vector<16xi32>
    %swap3A_365 = vector.shape_cast %shift_right_logical3A_359 : vector<16xi32> to vector<1x16xi32>
    tpu.vector_store %arg11[%swap3A_361, %swap3A_362], %swap3A_365 {strides = array<i32>} : memref<4x128xi32, #tpu.memory_space<vmem>>, vector<1x16xi32>,
    %get3A_366 = arith.constant 1 : i32
    %get3A_367 = arith.index_cast %get3A_366 : i32 to index
    %get3A_368 = arith.constant 80 : index
    %get3A_369 = tpu.vector_load %arg8[%get3A_367, %get3A_368] {strides = array<i32>} : memref<4x128xi32, #tpu.memory_space<vmem>>, vector<1x16xi32>,
    %get3A_370 = vector.shape_cast %get3A_369 : vector<1x16xi32> to vector<16xi32>
    %shift_right_logical3A_371 = arith.constant 1 : i32
    %shift_right_logical3A_372 = vector.broadcast %shift_right_logical3A_371 : i32 to vector<16xi32>
    %shift_right_logical3A_373 = arith.shrui %get3A_370, %shift_right_logical3A_372 : vector<16xi32>
    %swap3A_374 = arith.constant 1 : i32
    %swap3A_375 = arith.index_cast %swap3A_374 : i32 to index
    %swap3A_376 = arith.constant 80 : index
    %swap3A_377 = tpu.vector_load %arg10[%swap3A_375, %swap3A_376] {strides = array<i32>} : memref<4x128xi32, #tpu.memory_space<vmem>>, vector<1x16xi32>,
    %swap3A_378 = vector.shape_cast %swap3A_377 : vector<1x16xi32> to vector<16xi32>
    %swap3A_379 = vector.shape_cast %shift_right_logical3A_373 : vector<16xi32> to vector<1x16xi32>
    tpu.vector_store %arg10[%swap3A_375, %swap3A_376], %swap3A_379 {strides = array<i32>} : memref<4x128xi32, #tpu.memory_space<vmem>>, vector<1x16xi32>,
    %get3A_380 = arith.constant 1 : i32
    %get3A_381 = arith.index_cast %get3A_380 : i32 to index
    %get3A_382 = arith.constant 80 : index
    %get3A_383 = tpu.vector_load %arg9[%get3A_381, %get3A_382] {strides = array<i32>} : memref<4x128xi32, #tpu.memory_space<vmem>>, vector<1x16xi32>,
    %get3A_384 = vector.shape_cast %get3A_383 : vector<1x16xi32> to vector<16xi32>
    %shift_right_logical3A_385 = arith.constant 1 : i32
    %shift_right_logical3A_386 = vector.broadcast %shift_right_logical3A_385 : i32 to vector<16xi32>
    %shift_right_logical3A_387 = arith.shrui %get3A_384, %shift_right_logical3A_386 : vector<16xi32>
    %swap3A_388 = arith.constant 1 : i32
    %swap3A_389 = arith.index_cast %swap3A_388 : i32 to index
    %swap3A_390 = arith.constant 80 : index
    %swap3A_391 = tpu.vector_load %arg11[%swap3A_389, %swap3A_390] {strides = array<i32>} : memref<4x128xi32, #tpu.memory_space<vmem>>, vector<1x16xi32>,
    %swap3A_392 = vector.shape_cast %swap3A_391 : vector<1x16xi32> to vector<16xi32>
    %swap3A_393 = vector.shape_cast %shift_right_logical3A_387 : vector<16xi32> to vector<1x16xi32>
    tpu.vector_store %arg11[%swap3A_389, %swap3A_390], %swap3A_393 {strides = array<i32>} : memref<4x128xi32, #tpu.memory_space<vmem>>, vector<1x16xi32>,
    %get3A_394 = arith.constant 1 : i32
    %get3A_395 = arith.index_cast %get3A_394 : i32 to index
    %get3A_396 = arith.constant 96 : index
    %get3A_397 = tpu.vector_load %arg8[%get3A_395, %get3A_396] {strides = array<i32>} : memref<4x128xi32, #tpu.memory_space<vmem>>, vector<1x16xi32>,
    %get3A_398 = vector.shape_cast %get3A_397 : vector<1x16xi32> to vector<16xi32>
    %shift_right_logical3A_399 = arith.constant 1 : i32
    %shift_right_logical3A_400 = vector.broadcast %shift_right_logical3A_399 : i32 to vector<16xi32>
    %shift_right_logical3A_401 = arith.shrui %get3A_398, %shift_right_logical3A_400 : vector<16xi32>
    %swap3A_402 = arith.constant 1 : i32
    %swap3A_403 = arith.index_cast %swap3A_402 : i32 to index
    %swap3A_404 = arith.constant 96 : index
    %swap3A_405 = tpu.vector_load %arg10[%swap3A_403, %swap3A_404] {strides = array<i32>} : memref<4x128xi32, #tpu.memory_space<vmem>>, vector<1x16xi32>,
    %swap3A_406 = vector.shape_cast %swap3A_405 : vector<1x16xi32> to vector<16xi32>
    %swap3A_407 = vector.shape_cast %shift_right_logical3A_401 : vector<16xi32> to vector<1x16xi32>
    tpu.vector_store %arg10[%swap3A_403, %swap3A_404], %swap3A_407 {strides = array<i32>} : memref<4x128xi32, #tpu.memory_space<vmem>>, vector<1x16xi32>,
    %get3A_408 = arith.constant 1 : i32
    %get3A_409 = arith.index_cast %get3A_408 : i32 to index
    %get3A_410 = arith.constant 96 : index
    %get3A_411 = tpu.vector_load %arg9[%get3A_409, %get3A_410] {strides = array<i32>} : memref<4x128xi32, #tpu.memory_space<vmem>>, vector<1x16xi32>,
    %get3A_412 = vector.shape_cast %get3A_411 : vector<1x16xi32> to vector<16xi32>
    %shift_right_logical3A_413 = arith.constant 1 : i32
    %shift_right_logical3A_414 = vector.broadcast %shift_right_logical3A_413 : i32 to vector<16xi32>
    %shift_right_logical3A_415 = arith.shrui %get3A_412, %shift_right_logical3A_414 : vector<16xi32>
    %swap3A_416 = arith.constant 1 : i32
    %swap3A_417 = arith.index_cast %swap3A_416 : i32 to index
    %swap3A_418 = arith.constant 96 : index
    %swap3A_419 = tpu.vector_load %arg11[%swap3A_417, %swap3A_418] {strides = array<i32>} : memref<4x128xi32, #tpu.memory_space<vmem>>, vector<1x16xi32>,
    %swap3A_420 = vector.shape_cast %swap3A_419 : vector<1x16xi32> to vector<16xi32>
    %swap3A_421 = vector.shape_cast %shift_right_logical3A_415 : vector<16xi32> to vector<1x16xi32>
    tpu.vector_store %arg11[%swap3A_417, %swap3A_418], %swap3A_421 {strides = array<i32>} : memref<4x128xi32, #tpu.memory_space<vmem>>, vector<1x16xi32>,
    %get3A_422 = arith.constant 1 : i32
    %get3A_423 = arith.index_cast %get3A_422 : i32 to index
    %get3A_424 = arith.constant 112 : index
    %get3A_425 = tpu.vector_load %arg8[%get3A_423, %get3A_424] {strides = array<i32>} : memref<4x128xi32, #tpu.memory_space<vmem>>, vector<1x16xi32>,
    %get3A_426 = vector.shape_cast %get3A_425 : vector<1x16xi32> to vector<16xi32>
    %shift_right_logical3A_427 = arith.constant 1 : i32
    %shift_right_logical3A_428 = vector.broadcast %shift_right_logical3A_427 : i32 to vector<16xi32>
    %shift_right_logical3A_429 = arith.shrui %get3A_426, %shift_right_logical3A_428 : vector<16xi32>
    %swap3A_430 = arith.constant 1 : i32
    %swap3A_431 = arith.index_cast %swap3A_430 : i32 to index
    %swap3A_432 = arith.constant 112 : index
    %swap3A_433 = tpu.vector_load %arg10[%swap3A_431, %swap3A_432] {strides = array<i32>} : memref<4x128xi32, #tpu.memory_space<vmem>>, vector<1x16xi32>,
    %swap3A_434 = vector.shape_cast %swap3A_433 : vector<1x16xi32> to vector<16xi32>
    %swap3A_435 = vector.shape_cast %shift_right_logical3A_429 : vector<16xi32> to vector<1x16xi32>
    tpu.vector_store %arg10[%swap3A_431, %swap3A_432], %swap3A_435 {strides = array<i32>} : memref<4x128xi32, #tpu.memory_space<vmem>>, vector<1x16xi32>,
    %get3A_436 = arith.constant 1 : i32
    %get3A_437 = arith.index_cast %get3A_436 : i32 to index
    %get3A_438 = arith.constant 112 : index
    %get3A_439 = tpu.vector_load %arg9[%get3A_437, %get3A_438] {strides = array<i32>} : memref<4x128xi32, #tpu.memory_space<vmem>>, vector<1x16xi32>,
    %get3A_440 = vector.shape_cast %get3A_439 : vector<1x16xi32> to vector<16xi32>
    %shift_right_logical3A_441 = arith.constant 1 : i32
    %shift_right_logical3A_442 = vector.broadcast %shift_right_logical3A_441 : i32 to vector<16xi32>
    %shift_right_logical3A_443 = arith.shrui %get3A_440, %shift_right_logical3A_442 : vector<16xi32>
    %swap3A_444 = arith.constant 1 : i32
    %swap3A_445 = arith.index_cast %swap3A_444 : i32 to index
    %swap3A_446 = arith.constant 112 : index
    %swap3A_447 = tpu.vector_load %arg11[%swap3A_445, %swap3A_446] {strides = array<i32>} : memref<4x128xi32, #tpu.memory_space<vmem>>, vector<1x16xi32>,
    %swap3A_448 = vector.shape_cast %swap3A_447 : vector<1x16xi32> to vector<16xi32>
    %swap3A_449 = vector.shape_cast %shift_right_logical3A_443 : vector<16xi32> to vector<1x16xi32>
    tpu.vector_store %arg11[%swap3A_445, %swap3A_446], %swap3A_449 {strides = array<i32>} : memref<4x128xi32, #tpu.memory_space<vmem>>, vector<1x16xi32>,
    %get3A_450 = arith.constant 2 : i32
    %get3A_451 = arith.index_cast %get3A_450 : i32 to index
    %get3A_452 = arith.constant 0 : index
    %get3A_453 = tpu.vector_load %arg8[%get3A_451, %get3A_452] {strides = array<i32>} : memref<4x128xi32, #tpu.memory_space<vmem>>, vector<1x16xi32>,
    %get3A_454 = vector.shape_cast %get3A_453 : vector<1x16xi32> to vector<16xi32>
    %shift_right_logical3A_455 = arith.constant 1 : i32
    %shift_right_logical3A_456 = vector.broadcast %shift_right_logical3A_455 : i32 to vector<16xi32>
    %shift_right_logical3A_457 = arith.shrui %get3A_454, %shift_right_logical3A_456 : vector<16xi32>
    %swap3A_458 = arith.constant 2 : i32
    %swap3A_459 = arith.index_cast %swap3A_458 : i32 to index
    %swap3A_460 = arith.constant 0 : index
    %swap3A_461 = tpu.vector_load %arg10[%swap3A_459, %swap3A_460] {strides = array<i32>} : memref<4x128xi32, #tpu.memory_space<vmem>>, vector<1x16xi32>,
    %swap3A_462 = vector.shape_cast %swap3A_461 : vector<1x16xi32> to vector<16xi32>
    %swap3A_463 = vector.shape_cast %shift_right_logical3A_457 : vector<16xi32> to vector<1x16xi32>
    tpu.vector_store %arg10[%swap3A_459, %swap3A_460], %swap3A_463 {strides = array<i32>} : memref<4x128xi32, #tpu.memory_space<vmem>>, vector<1x16xi32>,
    %get3A_464 = arith.constant 2 : i32
    %get3A_465 = arith.index_cast %get3A_464 : i32 to index
    %get3A_466 = arith.constant 0 : index
    %get3A_467 = tpu.vector_load %arg9[%get3A_465, %get3A_466] {strides = array<i32>} : memref<4x128xi32, #tpu.memory_space<vmem>>, vector<1x16xi32>,
    %get3A_468 = vector.shape_cast %get3A_467 : vector<1x16xi32> to vector<16xi32>
    %shift_right_logical3A_469 = arith.constant 1 : i32
    %shift_right_logical3A_470 = vector.broadcast %shift_right_logical3A_469 : i32 to vector<16xi32>
    %shift_right_logical3A_471 = arith.shrui %get3A_468, %shift_right_logical3A_470 : vector<16xi32>
    %swap3A_472 = arith.constant 2 : i32
    %swap3A_473 = arith.index_cast %swap3A_472 : i32 to index
    %swap3A_474 = arith.constant 0 : index
    %swap3A_475 = tpu.vector_load %arg11[%swap3A_473, %swap3A_474] {strides = array<i32>} : memref<4x128xi32, #tpu.memory_space<vmem>>, vector<1x16xi32>,
    %swap3A_476 = vector.shape_cast %swap3A_475 : vector<1x16xi32> to vector<16xi32>
    %swap3A_477 = vector.shape_cast %shift_right_logical3A_471 : vector<16xi32> to vector<1x16xi32>
    tpu.vector_store %arg11[%swap3A_473, %swap3A_474], %swap3A_477 {strides = array<i32>} : memref<4x128xi32, #tpu.memory_space<vmem>>, vector<1x16xi32>,
    %get3A_478 = arith.constant 2 : i32
    %get3A_479 = arith.index_cast %get3A_478 : i32 to index
    %get3A_480 = arith.constant 16 : index
    %get3A_481 = tpu.vector_load %arg8[%get3A_479, %get3A_480] {strides = array<i32>} : memref<4x128xi32, #tpu.memory_space<vmem>>, vector<1x16xi32>,
    %get3A_482 = vector.shape_cast %get3A_481 : vector<1x16xi32> to vector<16xi32>
    %shift_right_logical3A_483 = arith.constant 1 : i32
    %shift_right_logical3A_484 = vector.broadcast %shift_right_logical3A_483 : i32 to vector<16xi32>
    %shift_right_logical3A_485 = arith.shrui %get3A_482, %shift_right_logical3A_484 : vector<16xi32>
    %swap3A_486 = arith.constant 2 : i32
    %swap3A_487 = arith.index_cast %swap3A_486 : i32 to index
    %swap3A_488 = arith.constant 16 : index
    %swap3A_489 = tpu.vector_load %arg10[%swap3A_487, %swap3A_488] {strides = array<i32>} : memref<4x128xi32, #tpu.memory_space<vmem>>, vector<1x16xi32>,
    %swap3A_490 = vector.shape_cast %swap3A_489 : vector<1x16xi32> to vector<16xi32>
    %swap3A_491 = vector.shape_cast %shift_right_logical3A_485 : vector<16xi32> to vector<1x16xi32>
    tpu.vector_store %arg10[%swap3A_487, %swap3A_488], %swap3A_491 {strides = array<i32>} : memref<4x128xi32, #tpu.memory_space<vmem>>, vector<1x16xi32>,
    %get3A_492 = arith.constant 2 : i32
    %get3A_493 = arith.index_cast %get3A_492 : i32 to index
    %get3A_494 = arith.constant 16 : index
    %get3A_495 = tpu.vector_load %arg9[%get3A_493, %get3A_494] {strides = array<i32>} : memref<4x128xi32, #tpu.memory_space<vmem>>, vector<1x16xi32>,
    %get3A_496 = vector.shape_cast %get3A_495 : vector<1x16xi32> to vector<16xi32>
    %shift_right_logical3A_497 = arith.constant 1 : i32
    %shift_right_logical3A_498 = vector.broadcast %shift_right_logical3A_497 : i32 to vector<16xi32>
    %shift_right_logical3A_499 = arith.shrui %get3A_496, %shift_right_logical3A_498 : vector<16xi32>
    %swap3A_500 = arith.constant 2 : i32
    %swap3A_501 = arith.index_cast %swap3A_500 : i32 to index
    %swap3A_502 = arith.constant 16 : index
    %swap3A_503 = tpu.vector_load %arg11[%swap3A_501, %swap3A_502] {strides = array<i32>} : memref<4x128xi32, #tpu.memory_space<vmem>>, vector<1x16xi32>,
    %swap3A_504 = vector.shape_cast %swap3A_503 : vector<1x16xi32> to vector<16xi32>
    %swap3A_505 = vector.shape_cast %shift_right_logical3A_499 : vector<16xi32> to vector<1x16xi32>
    tpu.vector_store %arg11[%swap3A_501, %swap3A_502], %swap3A_505 {strides = array<i32>} : memref<4x128xi32, #tpu.memory_space<vmem>>, vector<1x16xi32>,
    %get3A_506 = arith.constant 2 : i32
    %get3A_507 = arith.index_cast %get3A_506 : i32 to index
    %get3A_508 = arith.constant 32 : index
    %get3A_509 = tpu.vector_load %arg8[%get3A_507, %get3A_508] {strides = array<i32>} : memref<4x128xi32, #tpu.memory_space<vmem>>, vector<1x16xi32>,
    %get3A_510 = vector.shape_cast %get3A_509 : vector<1x16xi32> to vector<16xi32>
    %shift_right_logical3A_511 = arith.constant 1 : i32
    %shift_right_logical3A_512 = vector.broadcast %shift_right_logical3A_511 : i32 to vector<16xi32>
    %shift_right_logical3A_513 = arith.shrui %get3A_510, %shift_right_logical3A_512 : vector<16xi32>
    %swap3A_514 = arith.constant 2 : i32
    %swap3A_515 = arith.index_cast %swap3A_514 : i32 to index
    %swap3A_516 = arith.constant 32 : index
    %swap3A_517 = tpu.vector_load %arg10[%swap3A_515, %swap3A_516] {strides = array<i32>} : memref<4x128xi32, #tpu.memory_space<vmem>>, vector<1x16xi32>,
    %swap3A_518 = vector.shape_cast %swap3A_517 : vector<1x16xi32> to vector<16xi32>
    %swap3A_519 = vector.shape_cast %shift_right_logical3A_513 : vector<16xi32> to vector<1x16xi32>
    tpu.vector_store %arg10[%swap3A_515, %swap3A_516], %swap3A_519 {strides = array<i32>} : memref<4x128xi32, #tpu.memory_space<vmem>>, vector<1x16xi32>,
    %get3A_520 = arith.constant 2 : i32
    %get3A_521 = arith.index_cast %get3A_520 : i32 to index
    %get3A_522 = arith.constant 32 : index
    %get3A_523 = tpu.vector_load %arg9[%get3A_521, %get3A_522] {strides = array<i32>} : memref<4x128xi32, #tpu.memory_space<vmem>>, vector<1x16xi32>,
    %get3A_524 = vector.shape_cast %get3A_523 : vector<1x16xi32> to vector<16xi32>
    %shift_right_logical3A_525 = arith.constant 1 : i32
    %shift_right_logical3A_526 = vector.broadcast %shift_right_logical3A_525 : i32 to vector<16xi32>
    %shift_right_logical3A_527 = arith.shrui %get3A_524, %shift_right_logical3A_526 : vector<16xi32>
    %swap3A_528 = arith.constant 2 : i32
    %swap3A_529 = arith.index_cast %swap3A_528 : i32 to index
    %swap3A_530 = arith.constant 32 : index
    %swap3A_531 = tpu.vector_load %arg11[%swap3A_529, %swap3A_530] {strides = array<i32>} : memref<4x128xi32, #tpu.memory_space<vmem>>, vector<1x16xi32>,
    %swap3A_532 = vector.shape_cast %swap3A_531 : vector<1x16xi32> to vector<16xi32>
    %swap3A_533 = vector.shape_cast %shift_right_logical3A_527 : vector<16xi32> to vector<1x16xi32>
    tpu.vector_store %arg11[%swap3A_529, %swap3A_530], %swap3A_533 {strides = array<i32>} : memref<4x128xi32, #tpu.memory_space<vmem>>, vector<1x16xi32>,
    %get3A_534 = arith.constant 2 : i32
    %get3A_535 = arith.index_cast %get3A_534 : i32 to index
    %get3A_536 = arith.constant 48 : index
    %get3A_537 = tpu.vector_load %arg8[%get3A_535, %get3A_536] {strides = array<i32>} : memref<4x128xi32, #tpu.memory_space<vmem>>, vector<1x16xi32>,
    %get3A_538 = vector.shape_cast %get3A_537 : vector<1x16xi32> to vector<16xi32>
    %shift_right_logical3A_539 = arith.constant 1 : i32
    %shift_right_logical3A_540 = vector.broadcast %shift_right_logical3A_539 : i32 to vector<16xi32>
    %shift_right_logical3A_541 = arith.shrui %get3A_538, %shift_right_logical3A_540 : vector<16xi32>
    %swap3A_542 = arith.constant 2 : i32
    %swap3A_543 = arith.index_cast %swap3A_542 : i32 to index
    %swap3A_544 = arith.constant 48 : index
    %swap3A_545 = tpu.vector_load %arg10[%swap3A_543, %swap3A_544] {strides = array<i32>} : memref<4x128xi32, #tpu.memory_space<vmem>>, vector<1x16xi32>,
    %swap3A_546 = vector.shape_cast %swap3A_545 : vector<1x16xi32> to vector<16xi32>
    %swap3A_547 = vector.shape_cast %shift_right_logical3A_541 : vector<16xi32> to vector<1x16xi32>
    tpu.vector_store %arg10[%swap3A_543, %swap3A_544], %swap3A_547 {strides = array<i32>} : memref<4x128xi32, #tpu.memory_space<vmem>>, vector<1x16xi32>,
    %get3A_548 = arith.constant 2 : i32
    %get3A_549 = arith.index_cast %get3A_548 : i32 to index
    %get3A_550 = arith.constant 48 : index
    %get3A_551 = tpu.vector_load %arg9[%get3A_549, %get3A_550] {strides = array<i32>} : memref<4x128xi32, #tpu.memory_space<vmem>>, vector<1x16xi32>,
    %get3A_552 = vector.shape_cast %get3A_551 : vector<1x16xi32> to vector<16xi32>
    %shift_right_logical3A_553 = arith.constant 1 : i32
    %shift_right_logical3A_554 = vector.broadcast %shift_right_logical3A_553 : i32 to vector<16xi32>
    %shift_right_logical3A_555 = arith.shrui %get3A_552, %shift_right_logical3A_554 : vector<16xi32>
    %swap3A_556 = arith.constant 2 : i32
    %swap3A_557 = arith.index_cast %swap3A_556 : i32 to index
    %swap3A_558 = arith.constant 48 : index
    %swap3A_559 = tpu.vector_load %arg11[%swap3A_557, %swap3A_558] {strides = array<i32>} : memref<4x128xi32, #tpu.memory_space<vmem>>, vector<1x16xi32>,
    %swap3A_560 = vector.shape_cast %swap3A_559 : vector<1x16xi32> to vector<16xi32>
    %swap3A_561 = vector.shape_cast %shift_right_logical3A_555 : vector<16xi32> to vector<1x16xi32>
    tpu.vector_store %arg11[%swap3A_557, %swap3A_558], %swap3A_561 {strides = array<i32>} : memref<4x128xi32, #tpu.memory_space<vmem>>, vector<1x16xi32>,
    %get3A_562 = arith.constant 2 : i32
    %get3A_563 = arith.index_cast %get3A_562 : i32 to index
    %get3A_564 = arith.constant 64 : index
    %get3A_565 = tpu.vector_load %arg8[%get3A_563, %get3A_564] {strides = array<i32>} : memref<4x128xi32, #tpu.memory_space<vmem>>, vector<1x16xi32>,
    %get3A_566 = vector.shape_cast %get3A_565 : vector<1x16xi32> to vector<16xi32>
    %shift_right_logical3A_567 = arith.constant 1 : i32
    %shift_right_logical3A_568 = vector.broadcast %shift_right_logical3A_567 : i32 to vector<16xi32>
    %shift_right_logical3A_569 = arith.shrui %get3A_566, %shift_right_logical3A_568 : vector<16xi32>
    %swap3A_570 = arith.constant 2 : i32
    %swap3A_571 = arith.index_cast %swap3A_570 : i32 to index
    %swap3A_572 = arith.constant 64 : index
    %swap3A_573 = tpu.vector_load %arg10[%swap3A_571, %swap3A_572] {strides = array<i32>} : memref<4x128xi32, #tpu.memory_space<vmem>>, vector<1x16xi32>,
    %swap3A_574 = vector.shape_cast %swap3A_573 : vector<1x16xi32> to vector<16xi32>
    %swap3A_575 = vector.shape_cast %shift_right_logical3A_569 : vector<16xi32> to vector<1x16xi32>
    tpu.vector_store %arg10[%swap3A_571, %swap3A_572], %swap3A_575 {strides = array<i32>} : memref<4x128xi32, #tpu.memory_space<vmem>>, vector<1x16xi32>,
    %get3A_576 = arith.constant 2 : i32
    %get3A_577 = arith.index_cast %get3A_576 : i32 to index
    %get3A_578 = arith.constant 64 : index
    %get3A_579 = tpu.vector_load %arg9[%get3A_577, %get3A_578] {strides = array<i32>} : memref<4x128xi32, #tpu.memory_space<vmem>>, vector<1x16xi32>,
    %get3A_580 = vector.shape_cast %get3A_579 : vector<1x16xi32> to vector<16xi32>
    %shift_right_logical3A_581 = arith.constant 1 : i32
    %shift_right_logical3A_582 = vector.broadcast %shift_right_logical3A_581 : i32 to vector<16xi32>
    %shift_right_logical3A_583 = arith.shrui %get3A_580, %shift_right_logical3A_582 : vector<16xi32>
    %swap3A_584 = arith.constant 2 : i32
    %swap3A_585 = arith.index_cast %swap3A_584 : i32 to index
    %swap3A_586 = arith.constant 64 : index
    %swap3A_587 = tpu.vector_load %arg11[%swap3A_585, %swap3A_586] {strides = array<i32>} : memref<4x128xi32, #tpu.memory_space<vmem>>, vector<1x16xi32>,
    %swap3A_588 = vector.shape_cast %swap3A_587 : vector<1x16xi32> to vector<16xi32>
    %swap3A_589 = vector.shape_cast %shift_right_logical3A_583 : vector<16xi32> to vector<1x16xi32>
    tpu.vector_store %arg11[%swap3A_585, %swap3A_586], %swap3A_589 {strides = array<i32>} : memref<4x128xi32, #tpu.memory_space<vmem>>, vector<1x16xi32>,
    %get3A_590 = arith.constant 2 : i32
    %get3A_591 = arith.index_cast %get3A_590 : i32 to index
    %get3A_592 = arith.constant 80 : index
    %get3A_593 = tpu.vector_load %arg8[%get3A_591, %get3A_592] {strides = array<i32>} : memref<4x128xi32, #tpu.memory_space<vmem>>, vector<1x16xi32>,
    %get3A_594 = vector.shape_cast %get3A_593 : vector<1x16xi32> to vector<16xi32>
    %shift_right_logical3A_595 = arith.constant 1 : i32
    %shift_right_logical3A_596 = vector.broadcast %shift_right_logical3A_595 : i32 to vector<16xi32>
    %shift_right_logical3A_597 = arith.shrui %get3A_594, %shift_right_logical3A_596 : vector<16xi32>
    %swap3A_598 = arith.constant 2 : i32
    %swap3A_599 = arith.index_cast %swap3A_598 : i32 to index
    %swap3A_600 = arith.constant 80 : index
    %swap3A_601 = tpu.vector_load %arg10[%swap3A_599, %swap3A_600] {strides = array<i32>} : memref<4x128xi32, #tpu.memory_space<vmem>>, vector<1x16xi32>,
    %swap3A_602 = vector.shape_cast %swap3A_601 : vector<1x16xi32> to vector<16xi32>
    %swap3A_603 = vector.shape_cast %shift_right_logical3A_597 : vector<16xi32> to vector<1x16xi32>
    tpu.vector_store %arg10[%swap3A_599, %swap3A_600], %swap3A_603 {strides = array<i32>} : memref<4x128xi32, #tpu.memory_space<vmem>>, vector<1x16xi32>,
    %get3A_604 = arith.constant 2 : i32
    %get3A_605 = arith.index_cast %get3A_604 : i32 to index
    %get3A_606 = arith.constant 80 : index
    %get3A_607 = tpu.vector_load %arg9[%get3A_605, %get3A_606] {strides = array<i32>} : memref<4x128xi32, #tpu.memory_space<vmem>>, vector<1x16xi32>,
    %get3A_608 = vector.shape_cast %get3A_607 : vector<1x16xi32> to vector<16xi32>
    %shift_right_logical3A_609 = arith.constant 1 : i32
    %shift_right_logical3A_610 = vector.broadcast %shift_right_logical3A_609 : i32 to vector<16xi32>
    %shift_right_logical3A_611 = arith.shrui %get3A_608, %shift_right_logical3A_610 : vector<16xi32>
    %swap3A_612 = arith.constant 2 : i32
    %swap3A_613 = arith.index_cast %swap3A_612 : i32 to index
    %swap3A_614 = arith.constant 80 : index
    %swap3A_615 = tpu.vector_load %arg11[%swap3A_613, %swap3A_614] {strides = array<i32>} : memref<4x128xi32, #tpu.memory_space<vmem>>, vector<1x16xi32>,
    %swap3A_616 = vector.shape_cast %swap3A_615 : vector<1x16xi32> to vector<16xi32>
    %swap3A_617 = vector.shape_cast %shift_right_logical3A_611 : vector<16xi32> to vector<1x16xi32>
    tpu.vector_store %arg11[%swap3A_613, %swap3A_614], %swap3A_617 {strides = array<i32>} : memref<4x128xi32, #tpu.memory_space<vmem>>, vector<1x16xi32>,
    %get3A_618 = arith.constant 2 : i32
    %get3A_619 = arith.index_cast %get3A_618 : i32 to index
    %get3A_620 = arith.constant 96 : index
    %get3A_621 = tpu.vector_load %arg8[%get3A_619, %get3A_620] {strides = array<i32>} : memref<4x128xi32, #tpu.memory_space<vmem>>, vector<1x16xi32>,
    %get3A_622 = vector.shape_cast %get3A_621 : vector<1x16xi32> to vector<16xi32>
    %shift_right_logical3A_623 = arith.constant 1 : i32
    %shift_right_logical3A_624 = vector.broadcast %shift_right_logical3A_623 : i32 to vector<16xi32>
    %shift_right_logical3A_625 = arith.shrui %get3A_622, %shift_right_logical3A_624 : vector<16xi32>
    %swap3A_626 = arith.constant 2 : i32
    %swap3A_627 = arith.index_cast %swap3A_626 : i32 to index
    %swap3A_628 = arith.constant 96 : index
    %swap3A_629 = tpu.vector_load %arg10[%swap3A_627, %swap3A_628] {strides = array<i32>} : memref<4x128xi32, #tpu.memory_space<vmem>>, vector<1x16xi32>,
    %swap3A_630 = vector.shape_cast %swap3A_629 : vector<1x16xi32> to vector<16xi32>
    %swap3A_631 = vector.shape_cast %shift_right_logical3A_625 : vector<16xi32> to vector<1x16xi32>
    tpu.vector_store %arg10[%swap3A_627, %swap3A_628], %swap3A_631 {strides = array<i32>} : memref<4x128xi32, #tpu.memory_space<vmem>>, vector<1x16xi32>,
    %get3A_632 = arith.constant 2 : i32
    %get3A_633 = arith.index_cast %get3A_632 : i32 to index
    %get3A_634 = arith.constant 96 : index
    %get3A_635 = tpu.vector_load %arg9[%get3A_633, %get3A_634] {strides = array<i32>} : memref<4x128xi32, #tpu.memory_space<vmem>>, vector<1x16xi32>,
    %get3A_636 = vector.shape_cast %get3A_635 : vector<1x16xi32> to vector<16xi32>
    %shift_right_logical3A_637 = arith.constant 1 : i32
    %shift_right_logical3A_638 = vector.broadcast %shift_right_logical3A_637 : i32 to vector<16xi32>
    %shift_right_logical3A_639 = arith.shrui %get3A_636, %shift_right_logical3A_638 : vector<16xi32>
    %swap3A_640 = arith.constant 2 : i32
    %swap3A_641 = arith.index_cast %swap3A_640 : i32 to index
    %swap3A_642 = arith.constant 96 : index
    %swap3A_643 = tpu.vector_load %arg11[%swap3A_641, %swap3A_642] {strides = array<i32>} : memref<4x128xi32, #tpu.memory_space<vmem>>, vector<1x16xi32>,
    %swap3A_644 = vector.shape_cast %swap3A_643 : vector<1x16xi32> to vector<16xi32>
    %swap3A_645 = vector.shape_cast %shift_right_logical3A_639 : vector<16xi32> to vector<1x16xi32>
    tpu.vector_store %arg11[%swap3A_641, %swap3A_642], %swap3A_645 {strides = array<i32>} : memref<4x128xi32, #tpu.memory_space<vmem>>, vector<1x16xi32>,
    %get3A_646 = arith.constant 2 : i32
    %get3A_647 = arith.index_cast %get3A_646 : i32 to index
    %get3A_648 = arith.constant 112 : index
    %get3A_649 = tpu.vector_load %arg8[%get3A_647, %get3A_648] {strides = array<i32>} : memref<4x128xi32, #tpu.memory_space<vmem>>, vector<1x16xi32>,
    %get3A_650 = vector.shape_cast %get3A_649 : vector<1x16xi32> to vector<16xi32>
    %shift_right_logical3A_651 = arith.constant 1 : i32
    %shift_right_logical3A_652 = vector.broadcast %shift_right_logical3A_651 : i32 to vector<16xi32>
    %shift_right_logical3A_653 = arith.shrui %get3A_650, %shift_right_logical3A_652 : vector<16xi32>
    %swap3A_654 = arith.constant 2 : i32
    %swap3A_655 = arith.index_cast %swap3A_654 : i32 to index
    %swap3A_656 = arith.constant 112 : index
    %swap3A_657 = tpu.vector_load %arg10[%swap3A_655, %swap3A_656] {strides = array<i32>} : memref<4x128xi32, #tpu.memory_space<vmem>>, vector<1x16xi32>,
    %swap3A_658 = vector.shape_cast %swap3A_657 : vector<1x16xi32> to vector<16xi32>
    %swap3A_659 = vector.shape_cast %shift_right_logical3A_653 : vector<16xi32> to vector<1x16xi32>
    tpu.vector_store %arg10[%swap3A_655, %swap3A_656], %swap3A_659 {strides = array<i32>} : memref<4x128xi32, #tpu.memory_space<vmem>>, vector<1x16xi32>,
    %get3A_660 = arith.constant 2 : i32
    %get3A_661 = arith.index_cast %get3A_660 : i32 to index
    %get3A_662 = arith.constant 112 : index
    %get3A_663 = tpu.vector_load %arg9[%get3A_661, %get3A_662] {strides = array<i32>} : memref<4x128xi32, #tpu.memory_space<vmem>>, vector<1x16xi32>,
    %get3A_664 = vector.shape_cast %get3A_663 : vector<1x16xi32> to vector<16xi32>
    %shift_right_logical3A_665 = arith.constant 1 : i32
    %shift_right_logical3A_666 = vector.broadcast %shift_right_logical3A_665 : i32 to vector<16xi32>
    %shift_right_logical3A_667 = arith.shrui %get3A_664, %shift_right_logical3A_666 : vector<16xi32>
    %swap3A_668 = arith.constant 2 : i32
    %swap3A_669 = arith.index_cast %swap3A_668 : i32 to index
    %swap3A_670 = arith.constant 112 : index
    %swap3A_671 = tpu.vector_load %arg11[%swap3A_669, %swap3A_670] {strides = array<i32>} : memref<4x128xi32, #tpu.memory_space<vmem>>, vector<1x16xi32>,
    %swap3A_672 = vector.shape_cast %swap3A_671 : vector<1x16xi32> to vector<16xi32>
    %swap3A_673 = vector.shape_cast %shift_right_logical3A_667 : vector<16xi32> to vector<1x16xi32>
    tpu.vector_store %arg11[%swap3A_669, %swap3A_670], %swap3A_673 {strides = array<i32>} : memref<4x128xi32, #tpu.memory_space<vmem>>, vector<1x16xi32>,
    %get3A_674 = arith.constant 3 : i32
    %get3A_675 = arith.index_cast %get3A_674 : i32 to index
    %get3A_676 = arith.constant 0 : index
    %get3A_677 = tpu.vector_load %arg8[%get3A_675, %get3A_676] {strides = array<i32>} : memref<4x128xi32, #tpu.memory_space<vmem>>, vector<1x16xi32>,
    %get3A_678 = vector.shape_cast %get3A_677 : vector<1x16xi32> to vector<16xi32>
    %shift_right_logical3A_679 = arith.constant 1 : i32
    %shift_right_logical3A_680 = vector.broadcast %shift_right_logical3A_679 : i32 to vector<16xi32>
    %shift_right_logical3A_681 = arith.shrui %get3A_678, %shift_right_logical3A_680 : vector<16xi32>
    %swap3A_682 = arith.constant 3 : i32
    %swap3A_683 = arith.index_cast %swap3A_682 : i32 to index
    %swap3A_684 = arith.constant 0 : index
    %swap3A_685 = tpu.vector_load %arg10[%swap3A_683, %swap3A_684] {strides = array<i32>} : memref<4x128xi32, #tpu.memory_space<vmem>>, vector<1x16xi32>,
    %swap3A_686 = vector.shape_cast %swap3A_685 : vector<1x16xi32> to vector<16xi32>
    %swap3A_687 = vector.shape_cast %shift_right_logical3A_681 : vector<16xi32> to vector<1x16xi32>
    tpu.vector_store %arg10[%swap3A_683, %swap3A_684], %swap3A_687 {strides = array<i32>} : memref<4x128xi32, #tpu.memory_space<vmem>>, vector<1x16xi32>,
    %get3A_688 = arith.constant 3 : i32
    %get3A_689 = arith.index_cast %get3A_688 : i32 to index
    %get3A_690 = arith.constant 0 : index
    %get3A_691 = tpu.vector_load %arg9[%get3A_689, %get3A_690] {strides = array<i32>} : memref<4x128xi32, #tpu.memory_space<vmem>>, vector<1x16xi32>,
    %get3A_692 = vector.shape_cast %get3A_691 : vector<1x16xi32> to vector<16xi32>
    %shift_right_logical3A_693 = arith.constant 1 : i32
    %shift_right_logical3A_694 = vector.broadcast %shift_right_logical3A_693 : i32 to vector<16xi32>
    %shift_right_logical3A_695 = arith.shrui %get3A_692, %shift_right_logical3A_694 : vector<16xi32>
    %swap3A_696 = arith.constant 3 : i32
    %swap3A_697 = arith.index_cast %swap3A_696 : i32 to index
    %swap3A_698 = arith.constant 0 : index
    %swap3A_699 = tpu.vector_load %arg11[%swap3A_697, %swap3A_698] {strides = array<i32>} : memref<4x128xi32, #tpu.memory_space<vmem>>, vector<1x16xi32>,
    %swap3A_700 = vector.shape_cast %swap3A_699 : vector<1x16xi32> to vector<16xi32>
    %swap3A_701 = vector.shape_cast %shift_right_logical3A_695 : vector<16xi32> to vector<1x16xi32>
    tpu.vector_store %arg11[%swap3A_697, %swap3A_698], %swap3A_701 {strides = array<i32>} : memref<4x128xi32, #tpu.memory_space<vmem>>, vector<1x16xi32>,
    %get3A_702 = arith.constant 3 : i32
    %get3A_703 = arith.index_cast %get3A_702 : i32 to index
    %get3A_704 = arith.constant 16 : index
    %get3A_705 = tpu.vector_load %arg8[%get3A_703, %get3A_704] {strides = array<i32>} : memref<4x128xi32, #tpu.memory_space<vmem>>, vector<1x16xi32>,
    %get3A_706 = vector.shape_cast %get3A_705 : vector<1x16xi32> to vector<16xi32>
    %shift_right_logical3A_707 = arith.constant 1 : i32
    %shift_right_logical3A_708 = vector.broadcast %shift_right_logical3A_707 : i32 to vector<16xi32>
    %shift_right_logical3A_709 = arith.shrui %get3A_706, %shift_right_logical3A_708 : vector<16xi32>
    %swap3A_710 = arith.constant 3 : i32
    %swap3A_711 = arith.index_cast %swap3A_710 : i32 to index
    %swap3A_712 = arith.constant 16 : index
    %swap3A_713 = tpu.vector_load %arg10[%swap3A_711, %swap3A_712] {strides = array<i32>} : memref<4x128xi32, #tpu.memory_space<vmem>>, vector<1x16xi32>,
    %swap3A_714 = vector.shape_cast %swap3A_713 : vector<1x16xi32> to vector<16xi32>
    %swap3A_715 = vector.shape_cast %shift_right_logical3A_709 : vector<16xi32> to vector<1x16xi32>
    tpu.vector_store %arg10[%swap3A_711, %swap3A_712], %swap3A_715 {strides = array<i32>} : memref<4x128xi32, #tpu.memory_space<vmem>>, vector<1x16xi32>,
    %get3A_716 = arith.constant 3 : i32
    %get3A_717 = arith.index_cast %get3A_716 : i32 to index
    %get3A_718 = arith.constant 16 : index
    %get3A_719 = tpu.vector_load %arg9[%get3A_717, %get3A_718] {strides = array<i32>} : memref<4x128xi32, #tpu.memory_space<vmem>>, vector<1x16xi32>,
    %get3A_720 = vector.shape_cast %get3A_719 : vector<1x16xi32> to vector<16xi32>
    %shift_right_logical3A_721 = arith.constant 1 : i32
    %shift_right_logical3A_722 = vector.broadcast %shift_right_logical3A_721 : i32 to vector<16xi32>
    %shift_right_logical3A_723 = arith.shrui %get3A_720, %shift_right_logical3A_722 : vector<16xi32>
    %swap3A_724 = arith.constant 3 : i32
    %swap3A_725 = arith.index_cast %swap3A_724 : i32 to index
    %swap3A_726 = arith.constant 16 : index
    %swap3A_727 = tpu.vector_load %arg11[%swap3A_725, %swap3A_726] {strides = array<i32>} : memref<4x128xi32, #tpu.memory_space<vmem>>, vector<1x16xi32>,
    %swap3A_728 = vector.shape_cast %swap3A_727 : vector<1x16xi32> to vector<16xi32>
    %swap3A_729 = vector.shape_cast %shift_right_logical3A_723 : vector<16xi32> to vector<1x16xi32>
    tpu.vector_store %arg11[%swap3A_725, %swap3A_726], %swap3A_729 {strides = array<i32>} : memref<4x128xi32, #tpu.memory_space<vmem>>, vector<1x16xi32>,
    %get3A_730 = arith.constant 3 : i32
    %get3A_731 = arith.index_cast %get3A_730 : i32 to index
    %get3A_732 = arith.constant 32 : index
    %get3A_733 = tpu.vector_load %arg8[%get3A_731, %get3A_732] {strides = array<i32>} : memref<4x128xi32, #tpu.memory_space<vmem>>, vector<1x16xi32>,
    %get3A_734 = vector.shape_cast %get3A_733 : vector<1x16xi32> to vector<16xi32>
    %shift_right_logical3A_735 = arith.constant 1 : i32
    %shift_right_logical3A_736 = vector.broadcast %shift_right_logical3A_735 : i32 to vector<16xi32>
    %shift_right_logical3A_737 = arith.shrui %get3A_734, %shift_right_logical3A_736 : vector<16xi32>
    %swap3A_738 = arith.constant 3 : i32
    %swap3A_739 = arith.index_cast %swap3A_738 : i32 to index
    %swap3A_740 = arith.constant 32 : index
    %swap3A_741 = tpu.vector_load %arg10[%swap3A_739, %swap3A_740] {strides = array<i32>} : memref<4x128xi32, #tpu.memory_space<vmem>>, vector<1x16xi32>,
    %swap3A_742 = vector.shape_cast %swap3A_741 : vector<1x16xi32> to vector<16xi32>
    %swap3A_743 = vector.shape_cast %shift_right_logical3A_737 : vector<16xi32> to vector<1x16xi32>
    tpu.vector_store %arg10[%swap3A_739, %swap3A_740], %swap3A_743 {strides = array<i32>} : memref<4x128xi32, #tpu.memory_space<vmem>>, vector<1x16xi32>,
    %get3A_744 = arith.constant 3 : i32
    %get3A_745 = arith.index_cast %get3A_744 : i32 to index
    %get3A_746 = arith.constant 32 : index
    %get3A_747 = tpu.vector_load %arg9[%get3A_745, %get3A_746] {strides = array<i32>} : memref<4x128xi32, #tpu.memory_space<vmem>>, vector<1x16xi32>,
    %get3A_748 = vector.shape_cast %get3A_747 : vector<1x16xi32> to vector<16xi32>
    %shift_right_logical3A_749 = arith.constant 1 : i32
    %shift_right_logical3A_750 = vector.broadcast %shift_right_logical3A_749 : i32 to vector<16xi32>
    %shift_right_logical3A_751 = arith.shrui %get3A_748, %shift_right_logical3A_750 : vector<16xi32>
    %swap3A_752 = arith.constant 3 : i32
    %swap3A_753 = arith.index_cast %swap3A_752 : i32 to index
    %swap3A_754 = arith.constant 32 : index
    %swap3A_755 = tpu.vector_load %arg11[%swap3A_753, %swap3A_754] {strides = array<i32>} : memref<4x128xi32, #tpu.memory_space<vmem>>, vector<1x16xi32>,
    %swap3A_756 = vector.shape_cast %swap3A_755 : vector<1x16xi32> to vector<16xi32>
    %swap3A_757 = vector.shape_cast %shift_right_logical3A_751 : vector<16xi32> to vector<1x16xi32>
    tpu.vector_store %arg11[%swap3A_753, %swap3A_754], %swap3A_757 {strides = array<i32>} : memref<4x128xi32, #tpu.memory_space<vmem>>, vector<1x16xi32>,
    %get3A_758 = arith.constant 3 : i32
    %get3A_759 = arith.index_cast %get3A_758 : i32 to index
    %get3A_760 = arith.constant 48 : index
    %get3A_761 = tpu.vector_load %arg8[%get3A_759, %get3A_760] {strides = array<i32>} : memref<4x128xi32, #tpu.memory_space<vmem>>, vector<1x16xi32>,
    %get3A_762 = vector.shape_cast %get3A_761 : vector<1x16xi32> to vector<16xi32>
    %shift_right_logical3A_763 = arith.constant 1 : i32
    %shift_right_logical3A_764 = vector.broadcast %shift_right_logical3A_763 : i32 to vector<16xi32>
    %shift_right_logical3A_765 = arith.shrui %get3A_762, %shift_right_logical3A_764 : vector<16xi32>
    %swap3A_766 = arith.constant 3 : i32
    %swap3A_767 = arith.index_cast %swap3A_766 : i32 to index
    %swap3A_768 = arith.constant 48 : index
    %swap3A_769 = tpu.vector_load %arg10[%swap3A_767, %swap3A_768] {strides = array<i32>} : memref<4x128xi32, #tpu.memory_space<vmem>>, vector<1x16xi32>,
    %swap3A_770 = vector.shape_cast %swap3A_769 : vector<1x16xi32> to vector<16xi32>
    %swap3A_771 = vector.shape_cast %shift_right_logical3A_765 : vector<16xi32> to vector<1x16xi32>
    tpu.vector_store %arg10[%swap3A_767, %swap3A_768], %swap3A_771 {strides = array<i32>} : memref<4x128xi32, #tpu.memory_space<vmem>>, vector<1x16xi32>,
    %get3A_772 = arith.constant 3 : i32
    %get3A_773 = arith.index_cast %get3A_772 : i32 to index
    %get3A_774 = arith.constant 48 : index
    %get3A_775 = tpu.vector_load %arg9[%get3A_773, %get3A_774] {strides = array<i32>} : memref<4x128xi32, #tpu.memory_space<vmem>>, vector<1x16xi32>,
    %get3A_776 = vector.shape_cast %get3A_775 : vector<1x16xi32> to vector<16xi32>
    %shift_right_logical3A_777 = arith.constant 1 : i32
    %shift_right_logical3A_778 = vector.broadcast %shift_right_logical3A_777 : i32 to vector<16xi32>
    %shift_right_logical3A_779 = arith.shrui %get3A_776, %shift_right_logical3A_778 : vector<16xi32>
    %swap3A_780 = arith.constant 3 : i32
    %swap3A_781 = arith.index_cast %swap3A_780 : i32 to index
    %swap3A_782 = arith.constant 48 : index
    %swap3A_783 = tpu.vector_load %arg11[%swap3A_781, %swap3A_782] {strides = array<i32>} : memref<4x128xi32, #tpu.memory_space<vmem>>, vector<1x16xi32>,
    %swap3A_784 = vector.shape_cast %swap3A_783 : vector<1x16xi32> to vector<16xi32>
    %swap3A_785 = vector.shape_cast %shift_right_logical3A_779 : vector<16xi32> to vector<1x16xi32>
    tpu.vector_store %arg11[%swap3A_781, %swap3A_782], %swap3A_785 {strides = array<i32>} : memref<4x128xi32, #tpu.memory_space<vmem>>, vector<1x16xi32>,
    %get3A_786 = arith.constant 3 : i32
    %get3A_787 = arith.index_cast %get3A_786 : i32 to index
    %get3A_788 = arith.constant 64 : index
    %get3A_789 = tpu.vector_load %arg8[%get3A_787, %get3A_788] {strides = array<i32>} : memref<4x128xi32, #tpu.memory_space<vmem>>, vector<1x16xi32>,
    %get3A_790 = vector.shape_cast %get3A_789 : vector<1x16xi32> to vector<16xi32>
    %shift_right_logical3A_791 = arith.constant 1 : i32
    %shift_right_logical3A_792 = vector.broadcast %shift_right_logical3A_791 : i32 to vector<16xi32>
    %shift_right_logical3A_793 = arith.shrui %get3A_790, %shift_right_logical3A_792 : vector<16xi32>
    %swap3A_794 = arith.constant 3 : i32
    %swap3A_795 = arith.index_cast %swap3A_794 : i32 to index
    %swap3A_796 = arith.constant 64 : index
    %swap3A_797 = tpu.vector_load %arg10[%swap3A_795, %swap3A_796] {strides = array<i32>} : memref<4x128xi32, #tpu.memory_space<vmem>>, vector<1x16xi32>,
    %swap3A_798 = vector.shape_cast %swap3A_797 : vector<1x16xi32> to vector<16xi32>
    %swap3A_799 = vector.shape_cast %shift_right_logical3A_793 : vector<16xi32> to vector<1x16xi32>
    tpu.vector_store %arg10[%swap3A_795, %swap3A_796], %swap3A_799 {strides = array<i32>} : memref<4x128xi32, #tpu.memory_space<vmem>>, vector<1x16xi32>,
    %get3A_800 = arith.constant 3 : i32
    %get3A_801 = arith.index_cast %get3A_800 : i32 to index
    %get3A_802 = arith.constant 64 : index
    %get3A_803 = tpu.vector_load %arg9[%get3A_801, %get3A_802] {strides = array<i32>} : memref<4x128xi32, #tpu.memory_space<vmem>>, vector<1x16xi32>,
    %get3A_804 = vector.shape_cast %get3A_803 : vector<1x16xi32> to vector<16xi32>
    %shift_right_logical3A_805 = arith.constant 1 : i32
    %shift_right_logical3A_806 = vector.broadcast %shift_right_logical3A_805 : i32 to vector<16xi32>
    %shift_right_logical3A_807 = arith.shrui %get3A_804, %shift_right_logical3A_806 : vector<16xi32>
    %swap3A_808 = arith.constant 3 : i32
    %swap3A_809 = arith.index_cast %swap3A_808 : i32 to index
    %swap3A_810 = arith.constant 64 : index
    %swap3A_811 = tpu.vector_load %arg11[%swap3A_809, %swap3A_810] {strides = array<i32>} : memref<4x128xi32, #tpu.memory_space<vmem>>, vector<1x16xi32>,
    %swap3A_812 = vector.shape_cast %swap3A_811 : vector<1x16xi32> to vector<16xi32>
    %swap3A_813 = vector.shape_cast %shift_right_logical3A_807 : vector<16xi32> to vector<1x16xi32>
    tpu.vector_store %arg11[%swap3A_809, %swap3A_810], %swap3A_813 {strides = array<i32>} : memref<4x128xi32, #tpu.memory_space<vmem>>, vector<1x16xi32>,
    %get3A_814 = arith.constant 3 : i32
    %get3A_815 = arith.index_cast %get3A_814 : i32 to index
    %get3A_816 = arith.constant 80 : index
    %get3A_817 = tpu.vector_load %arg8[%get3A_815, %get3A_816] {strides = array<i32>} : memref<4x128xi32, #tpu.memory_space<vmem>>, vector<1x16xi32>,
    %get3A_818 = vector.shape_cast %get3A_817 : vector<1x16xi32> to vector<16xi32>
    %shift_right_logical3A_819 = arith.constant 1 : i32
    %shift_right_logical3A_820 = vector.broadcast %shift_right_logical3A_819 : i32 to vector<16xi32>
    %shift_right_logical3A_821 = arith.shrui %get3A_818, %shift_right_logical3A_820 : vector<16xi32>
    %swap3A_822 = arith.constant 3 : i32
    %swap3A_823 = arith.index_cast %swap3A_822 : i32 to index
    %swap3A_824 = arith.constant 80 : index
    %swap3A_825 = tpu.vector_load %arg10[%swap3A_823, %swap3A_824] {strides = array<i32>} : memref<4x128xi32, #tpu.memory_space<vmem>>, vector<1x16xi32>,
    %swap3A_826 = vector.shape_cast %swap3A_825 : vector<1x16xi32> to vector<16xi32>
    %swap3A_827 = vector.shape_cast %shift_right_logical3A_821 : vector<16xi32> to vector<1x16xi32>
    tpu.vector_store %arg10[%swap3A_823, %swap3A_824], %swap3A_827 {strides = array<i32>} : memref<4x128xi32, #tpu.memory_space<vmem>>, vector<1x16xi32>,
    %get3A_828 = arith.constant 3 : i32
    %get3A_829 = arith.index_cast %get3A_828 : i32 to index
    %get3A_830 = arith.constant 80 : index
    %get3A_831 = tpu.vector_load %arg9[%get3A_829, %get3A_830] {strides = array<i32>} : memref<4x128xi32, #tpu.memory_space<vmem>>, vector<1x16xi32>,
    %get3A_832 = vector.shape_cast %get3A_831 : vector<1x16xi32> to vector<16xi32>
    %shift_right_logical3A_833 = arith.constant 1 : i32
    %shift_right_logical3A_834 = vector.broadcast %shift_right_logical3A_833 : i32 to vector<16xi32>
    %shift_right_logical3A_835 = arith.shrui %get3A_832, %shift_right_logical3A_834 : vector<16xi32>
    %swap3A_836 = arith.constant 3 : i32
    %swap3A_837 = arith.index_cast %swap3A_836 : i32 to index
    %swap3A_838 = arith.constant 80 : index
    %swap3A_839 = tpu.vector_load %arg11[%swap3A_837, %swap3A_838] {strides = array<i32>} : memref<4x128xi32, #tpu.memory_space<vmem>>, vector<1x16xi32>,
    %swap3A_840 = vector.shape_cast %swap3A_839 : vector<1x16xi32> to vector<16xi32>
    %swap3A_841 = vector.shape_cast %shift_right_logical3A_835 : vector<16xi32> to vector<1x16xi32>
    tpu.vector_store %arg11[%swap3A_837, %swap3A_838], %swap3A_841 {strides = array<i32>} : memref<4x128xi32, #tpu.memory_space<vmem>>, vector<1x16xi32>,
    %get3A_842 = arith.constant 3 : i32
    %get3A_843 = arith.index_cast %get3A_842 : i32 to index
    %get3A_844 = arith.constant 96 : index
    %get3A_845 = tpu.vector_load %arg8[%get3A_843, %get3A_844] {strides = array<i32>} : memref<4x128xi32, #tpu.memory_space<vmem>>, vector<1x16xi32>,
    %get3A_846 = vector.shape_cast %get3A_845 : vector<1x16xi32> to vector<16xi32>
    %shift_right_logical3A_847 = arith.constant 1 : i32
    %shift_right_logical3A_848 = vector.broadcast %shift_right_logical3A_847 : i32 to vector<16xi32>
    %shift_right_logical3A_849 = arith.shrui %get3A_846, %shift_right_logical3A_848 : vector<16xi32>
    %swap3A_850 = arith.constant 3 : i32
    %swap3A_851 = arith.index_cast %swap3A_850 : i32 to index
    %swap3A_852 = arith.constant 96 : index
    %swap3A_853 = tpu.vector_load %arg10[%swap3A_851, %swap3A_852] {strides = array<i32>} : memref<4x128xi32, #tpu.memory_space<vmem>>, vector<1x16xi32>,
    %swap3A_854 = vector.shape_cast %swap3A_853 : vector<1x16xi32> to vector<16xi32>
    %swap3A_855 = vector.shape_cast %shift_right_logical3A_849 : vector<16xi32> to vector<1x16xi32>
    tpu.vector_store %arg10[%swap3A_851, %swap3A_852], %swap3A_855 {strides = array<i32>} : memref<4x128xi32, #tpu.memory_space<vmem>>, vector<1x16xi32>,
    %get3A_856 = arith.constant 3 : i32
    %get3A_857 = arith.index_cast %get3A_856 : i32 to index
    %get3A_858 = arith.constant 96 : index
    %get3A_859 = tpu.vector_load %arg9[%get3A_857, %get3A_858] {strides = array<i32>} : memref<4x128xi32, #tpu.memory_space<vmem>>, vector<1x16xi32>,
    %get3A_860 = vector.shape_cast %get3A_859 : vector<1x16xi32> to vector<16xi32>
    %shift_right_logical3A_861 = arith.constant 1 : i32
    %shift_right_logical3A_862 = vector.broadcast %shift_right_logical3A_861 : i32 to vector<16xi32>
    %shift_right_logical3A_863 = arith.shrui %get3A_860, %shift_right_logical3A_862 : vector<16xi32>
    %swap3A_864 = arith.constant 3 : i32
    %swap3A_865 = arith.index_cast %swap3A_864 : i32 to index
    %swap3A_866 = arith.constant 96 : index
    %swap3A_867 = tpu.vector_load %arg11[%swap3A_865, %swap3A_866] {strides = array<i32>} : memref<4x128xi32, #tpu.memory_space<vmem>>, vector<1x16xi32>,
    %swap3A_868 = vector.shape_cast %swap3A_867 : vector<1x16xi32> to vector<16xi32>
    %swap3A_869 = vector.shape_cast %shift_right_logical3A_863 : vector<16xi32> to vector<1x16xi32>
    tpu.vector_store %arg11[%swap3A_865, %swap3A_866], %swap3A_869 {strides = array<i32>} : memref<4x128xi32, #tpu.memory_space<vmem>>, vector<1x16xi32>,
    %get3A_870 = arith.constant 3 : i32
    %get3A_871 = arith.index_cast %get3A_870 : i32 to index
    %get3A_872 = arith.constant 112 : index
    %get3A_873 = tpu.vector_load %arg8[%get3A_871, %get3A_872] {strides = array<i32>} : memref<4x128xi32, #tpu.memory_space<vmem>>, vector<1x16xi32>,
    %get3A_874 = vector.shape_cast %get3A_873 : vector<1x16xi32> to vector<16xi32>
    %shift_right_logical3A_875 = arith.constant 1 : i32
    %shift_right_logical3A_876 = vector.broadcast %shift_right_logical3A_875 : i32 to vector<16xi32>
    %shift_right_logical3A_877 = arith.shrui %get3A_874, %shift_right_logical3A_876 : vector<16xi32>
    %swap3A_878 = arith.constant 3 : i32
    %swap3A_879 = arith.index_cast %swap3A_878 : i32 to index
    %swap3A_880 = arith.constant 112 : index
    %swap3A_881 = tpu.vector_load %arg10[%swap3A_879, %swap3A_880] {strides = array<i32>} : memref<4x128xi32, #tpu.memory_space<vmem>>, vector<1x16xi32>,
    %swap3A_882 = vector.shape_cast %swap3A_881 : vector<1x16xi32> to vector<16xi32>
    %swap3A_883 = vector.shape_cast %shift_right_logical3A_877 : vector<16xi32> to vector<1x16xi32>
    tpu.vector_store %arg10[%swap3A_879, %swap3A_880], %swap3A_883 {strides = array<i32>} : memref<4x128xi32, #tpu.memory_space<vmem>>, vector<1x16xi32>,
    %get3A_884 = arith.constant 3 : i32
    %get3A_885 = arith.index_cast %get3A_884 : i32 to index
    %get3A_886 = arith.constant 112 : index
    %get3A_887 = tpu.vector_load %arg9[%get3A_885, %get3A_886] {strides = array<i32>} : memref<4x128xi32, #tpu.memory_space<vmem>>, vector<1x16xi32>,
    %get3A_888 = vector.shape_cast %get3A_887 : vector<1x16xi32> to vector<16xi32>
    %shift_right_logical3A_889 = arith.constant 1 : i32
    %shift_right_logical3A_890 = vector.broadcast %shift_right_logical3A_889 : i32 to vector<16xi32>
    %shift_right_logical3A_891 = arith.shrui %get3A_888, %shift_right_logical3A_890 : vector<16xi32>
    %swap3A_892 = arith.constant 3 : i32
    %swap3A_893 = arith.index_cast %swap3A_892 : i32 to index
    %swap3A_894 = arith.constant 112 : index
    %swap3A_895 = tpu.vector_load %arg11[%swap3A_893, %swap3A_894] {strides = array<i32>} : memref<4x128xi32, #tpu.memory_space<vmem>>, vector<1x16xi32>,
    %swap3A_896 = vector.shape_cast %swap3A_895 : vector<1x16xi32> to vector<16xi32>
    %swap3A_897 = vector.shape_cast %shift_right_logical3A_891 : vector<16xi32> to vector<1x16xi32>
    tpu.vector_store %arg11[%swap3A_893, %swap3A_894], %swap3A_897 {strides = array<i32>} : memref<4x128xi32, #tpu.memory_space<vmem>>, vector<1x16xi32>,
    %dma_start3A = arith.constant 0 : i32
    %dma_start3A_898 = arith.constant 0 : i32
    %dma_start3A_899 = arith.constant 0 : i32
    %dma_start3A_900 = arith.constant 0 : i32
    %dma_start3A_901 = tpu.memref_slice %arg12[%dma_start3A_898, %dma_start3A_899, %dma_start3A_900] : memref<2x128x128xf32, #tpu.memory_space<vmem>> -> memref<1x128x128xf32, #tpu.memory_space<vmem>>
    %dma_start3A_902 = tpu.memref_squeeze %dma_start3A_901 : memref<1x128x128xf32, #tpu.memory_space<vmem>> -> memref<128x128xf32, #tpu.memory_space<vmem>>
    %dma_start3A_903 = arith.constant 0 : i32
    %dma_start3A_904 = tpu.memref_slice %arg10[%dma_start3A, %dma_start3A_903] : memref<4x128xi32, #tpu.memory_space<vmem>> -> memref<1x128xi32, #tpu.memory_space<vmem>>
    %dma_start3A_905 = tpu.memref_squeeze %dma_start3A_904 : memref<1x128xi32, #tpu.memory_space<vmem>> -> memref<128xi32, #tpu.memory_space<vmem>>
    %dma_start3A_906 = arith.constant 0 : i32
    %dma_start3A_907 = arith.constant 0 : i32
    %dma_start3A_908 = tpu.memref_slice %arg4[%dma_start3A_906, %dma_start3A_907] : memref<500000x128xf32, #tpu.memory_space<hbm>> -> memref<500000x128xf32, #tpu.memory_space<hbm>>
    tpu.enqueue_indirect_dma source(%dma_start3A_908 : memref<500000x128xf32, #tpu.memory_space<hbm>>) target(%dma_start3A_902 : memref<128x128xf32, #tpu.memory_space<vmem>>) offsets(%dma_start3A_905 : memref<128xi32, #tpu.memory_space<vmem>>) semaphore(%arg14 : memref<!tpu.dma_semaphore, #tpu.memory_space<semaphore_mem>>)
    %dma_start3A_909 = arith.constant 0 : i32
    %dma_start3A_910 = arith.constant 0 : i32
    %dma_start3A_911 = arith.constant 0 : i32
    %dma_start3A_912 = arith.constant 0 : i32
    %dma_start3A_913 = tpu.memref_slice %arg13[%dma_start3A_910, %dma_start3A_911, %dma_start3A_912] : memref<2x128x128xf32, #tpu.memory_space<vmem>> -> memref<1x128x128xf32, #tpu.memory_space<vmem>>
    %dma_start3A_914 = tpu.memref_squeeze %dma_start3A_913 : memref<1x128x128xf32, #tpu.memory_space<vmem>> -> memref<128x128xf32, #tpu.memory_space<vmem>>
    %dma_start3A_915 = arith.constant 0 : i32
    %dma_start3A_916 = tpu.memref_slice %arg11[%dma_start3A_909, %dma_start3A_915] : memref<4x128xi32, #tpu.memory_space<vmem>> -> memref<1x128xi32, #tpu.memory_space<vmem>>
    %dma_start3A_917 = tpu.memref_squeeze %dma_start3A_916 : memref<1x128xi32, #tpu.memory_space<vmem>> -> memref<128xi32, #tpu.memory_space<vmem>>
    %dma_start3A_918 = arith.constant 0 : i32
    %dma_start3A_919 = arith.constant 0 : i32
    %dma_start3A_920 = tpu.memref_slice %arg5[%dma_start3A_918, %dma_start3A_919] : memref<50000x128xf32, #tpu.memory_space<hbm>> -> memref<50000x128xf32, #tpu.memory_space<hbm>>
    tpu.enqueue_indirect_dma source(%dma_start3A_920 : memref<50000x128xf32, #tpu.memory_space<hbm>>) target(%dma_start3A_914 : memref<128x128xf32, #tpu.memory_space<vmem>>) offsets(%dma_start3A_917 : memref<128xi32, #tpu.memory_space<vmem>>) semaphore(%arg16 : memref<!tpu.dma_semaphore, #tpu.memory_space<semaphore_mem>>)
    %dma_start3A_921 = arith.constant 1 : i32
    %dma_start3A_922 = arith.constant 1 : i32
    %dma_start3A_923 = arith.constant 0 : i32
    %dma_start3A_924 = arith.constant 0 : i32
    %dma_start3A_925 = tpu.memref_slice %arg12[%dma_start3A_922, %dma_start3A_923, %dma_start3A_924] : memref<2x128x128xf32, #tpu.memory_space<vmem>> -> memref<1x128x128xf32, #tpu.memory_space<vmem>>
    %dma_start3A_926 = tpu.memref_squeeze %dma_start3A_925 : memref<1x128x128xf32, #tpu.memory_space<vmem>> -> memref<128x128xf32, #tpu.memory_space<vmem>>
    %dma_start3A_927 = arith.constant 0 : i32
    %dma_start3A_928 = tpu.memref_slice %arg10[%dma_start3A_921, %dma_start3A_927] : memref<4x128xi32, #tpu.memory_space<vmem>> -> memref<1x128xi32, #tpu.memory_space<vmem>>
    %dma_start3A_929 = tpu.memref_squeeze %dma_start3A_928 : memref<1x128xi32, #tpu.memory_space<vmem>> -> memref<128xi32, #tpu.memory_space<vmem>>
    %dma_start3A_930 = arith.constant 0 : i32
    %dma_start3A_931 = arith.constant 0 : i32
    %dma_start3A_932 = tpu.memref_slice %arg4[%dma_start3A_930, %dma_start3A_931] : memref<500000x128xf32, #tpu.memory_space<hbm>> -> memref<500000x128xf32, #tpu.memory_space<hbm>>
    tpu.enqueue_indirect_dma source(%dma_start3A_932 : memref<500000x128xf32, #tpu.memory_space<hbm>>) target(%dma_start3A_926 : memref<128x128xf32, #tpu.memory_space<vmem>>) offsets(%dma_start3A_929 : memref<128xi32, #tpu.memory_space<vmem>>) semaphore(%arg15 : memref<!tpu.dma_semaphore, #tpu.memory_space<semaphore_mem>>)
    %dma_start3A_933 = arith.constant 1 : i32
    %dma_start3A_934 = arith.constant 1 : i32
    %dma_start3A_935 = arith.constant 0 : i32
    %dma_start3A_936 = arith.constant 0 : i32
    %dma_start3A_937 = tpu.memref_slice %arg13[%dma_start3A_934, %dma_start3A_935, %dma_start3A_936] : memref<2x128x128xf32, #tpu.memory_space<vmem>> -> memref<1x128x128xf32, #tpu.memory_space<vmem>>
    %dma_start3A_938 = tpu.memref_squeeze %dma_start3A_937 : memref<1x128x128xf32, #tpu.memory_space<vmem>> -> memref<128x128xf32, #tpu.memory_space<vmem>>
    %dma_start3A_939 = arith.constant 0 : i32
    %dma_start3A_940 = tpu.memref_slice %arg11[%dma_start3A_933, %dma_start3A_939] : memref<4x128xi32, #tpu.memory_space<vmem>> -> memref<1x128xi32, #tpu.memory_space<vmem>>
    %dma_start3A_941 = tpu.memref_squeeze %dma_start3A_940 : memref<1x128xi32, #tpu.memory_space<vmem>> -> memref<128xi32, #tpu.memory_space<vmem>>
    %dma_start3A_942 = arith.constant 0 : i32
    %dma_start3A_943 = arith.constant 0 : i32
    %dma_start3A_944 = tpu.memref_slice %arg5[%dma_start3A_942, %dma_start3A_943] : memref<50000x128xf32, #tpu.memory_space<hbm>> -> memref<50000x128xf32, #tpu.memory_space<hbm>>
    tpu.enqueue_indirect_dma source(%dma_start3A_944 : memref<50000x128xf32, #tpu.memory_space<hbm>>) target(%dma_start3A_938 : memref<128x128xf32, #tpu.memory_space<vmem>>) offsets(%dma_start3A_941 : memref<128xi32, #tpu.memory_space<vmem>>) semaphore(%arg17 : memref<!tpu.dma_semaphore, #tpu.memory_space<semaphore_mem>>)
    %dma_wait3A = arith.constant 0 : i32
    %dma_wait3A_945 = arith.constant 0 : i32
    %dma_wait3A_946 = arith.constant 0 : i32
    %dma_wait3A_947 = arith.constant 0 : i32
    %dma_wait3A_948 = tpu.memref_slice %arg12[%dma_wait3A_945, %dma_wait3A_946, %dma_wait3A_947] : memref<2x128x128xf32, #tpu.memory_space<vmem>> -> memref<1x128x128xf32, #tpu.memory_space<vmem>>
    %dma_wait3A_949 = tpu.memref_squeeze %dma_wait3A_948 : memref<1x128x128xf32, #tpu.memory_space<vmem>> -> memref<128x128xf32, #tpu.memory_space<vmem>>
    %dma_wait3A_950 = arith.constant 0 : i32
    %dma_wait3A_951 = tpu.memref_slice %arg10[%dma_wait3A, %dma_wait3A_950] : memref<4x128xi32, #tpu.memory_space<vmem>> -> memref<1x128xi32, #tpu.memory_space<vmem>>
    %dma_wait3A_952 = tpu.memref_squeeze %dma_wait3A_951 : memref<1x128xi32, #tpu.memory_space<vmem>> -> memref<128xi32, #tpu.memory_space<vmem>>
    %dma_wait3A_953 = arith.constant 0 : i32
    %dma_wait3A_954 = arith.constant 0 : i32
    %dma_wait3A_955 = tpu.memref_slice %arg4[%dma_wait3A_953, %dma_wait3A_954] : memref<500000x128xf32, #tpu.memory_space<hbm>> -> memref<500000x128xf32, #tpu.memory_space<hbm>>
    tpu.wait_indirect_dma semaphore(%arg14 : memref<!tpu.dma_semaphore, #tpu.memory_space<semaphore_mem>>) src(%dma_wait3A_955 : memref<500000x128xf32, #tpu.memory_space<hbm>>) dst(%dma_wait3A_949 : memref<128x128xf32, #tpu.memory_space<vmem>>)
    %add3A_956 = arith.constant 0 : i32
    %add3A_957 = arith.addi %mul3A_4, %add3A_956 : i32
    %run_scoped3A = arith.constant 0 : i32
    "tpu.region"() ({
      %run_scoped3A_1111 = tpu.sem_alloc : memref<!tpu.dma_semaphore, #tpu.memory_space<semaphore_mem>>
      %dma_start3A_1112 = arith.constant 0 : i32
      %dma_start3A_1113 = arith.constant 0 : i32
      %dma_start3A_1114 = tpu.memref_slice %arg12[%run_scoped3A, %dma_start3A_1112, %dma_start3A_1113] : memref<2x128x128xf32, #tpu.memory_space<vmem>> -> memref<1x128x128xf32, #tpu.memory_space<vmem>>
      %dma_start3A_1115 = tpu.memref_squeeze %dma_start3A_1114 : memref<1x128x128xf32, #tpu.memory_space<vmem>> -> memref<128x128xf32, #tpu.memory_space<vmem>>
      %dma_start3A_1116 = arith.constant 0 : i32
      %dma_start3A_1117 = tpu.memref_slice %arg6[%add3A_957, %dma_start3A_1116] : memref<16384x128xf32, #tpu.memory_space<hbm>> -> memref<128x128xf32, #tpu.memory_space<hbm>>
      %dma_start3A_1118 = arith.constant 0 : i32
      %dma_start3A_1119 = tpu.memref_slice %arg6[%add3A_957, %dma_start3A_1118] : memref<16384x128xf32, #tpu.memory_space<hbm>> -> memref<128x128xf32, #tpu.memory_space<hbm>>
      %dma_start3A_1120 = arith.constant 0 : i32
      %dma_start3A_1121 = arith.constant 0 : i32
      %dma_start3A_1122 = tpu.memref_slice %arg12[%run_scoped3A, %dma_start3A_1120, %dma_start3A_1121] : memref<2x128x128xf32, #tpu.memory_space<vmem>> -> memref<1x128x128xf32, #tpu.memory_space<vmem>>
      %dma_start3A_1123 = tpu.memref_squeeze %dma_start3A_1122 : memref<1x128x128xf32, #tpu.memory_space<vmem>> -> memref<128x128xf32, #tpu.memory_space<vmem>>
      tpu.enqueue_dma source(%dma_start3A_1123 : memref<128x128xf32, #tpu.memory_space<vmem>>) target(%dma_start3A_1119 : memref<128x128xf32, #tpu.memory_space<hbm>>) target_semaphore(%run_scoped3A_1111 : memref<!tpu.dma_semaphore, #tpu.memory_space<semaphore_mem>>)
      %dma_wait3A_1124 = arith.constant 0 : i32
      %dma_wait3A_1125 = arith.constant 0 : i32
      %dma_wait3A_1126 = tpu.memref_slice %arg12[%run_scoped3A, %dma_wait3A_1124, %dma_wait3A_1125] : memref<2x128x128xf32, #tpu.memory_space<vmem>> -> memref<1x128x128xf32, #tpu.memory_space<vmem>>
      %dma_wait3A_1127 = tpu.memref_squeeze %dma_wait3A_1126 : memref<1x128x128xf32, #tpu.memory_space<vmem>> -> memref<128x128xf32, #tpu.memory_space<vmem>>
      %dma_wait3A_1128 = arith.constant 0 : i32
      %dma_wait3A_1129 = tpu.memref_slice %arg6[%add3A_957, %dma_wait3A_1128] : memref<16384x128xf32, #tpu.memory_space<hbm>> -> memref<128x128xf32, #tpu.memory_space<hbm>>
      %dma_wait3A_1130 = arith.constant 0 : i32
      %dma_wait3A_1131 = tpu.memref_slice %arg6[%add3A_957, %dma_wait3A_1130] : memref<16384x128xf32, #tpu.memory_space<hbm>> -> memref<128x128xf32, #tpu.memory_space<hbm>>
      %dma_wait3A_1132 = arith.constant 0 : i32
      %dma_wait3A_1133 = arith.constant 0 : i32
      %dma_wait3A_1134 = tpu.memref_slice %arg12[%run_scoped3A, %dma_wait3A_1132, %dma_wait3A_1133] : memref<2x128x128xf32, #tpu.memory_space<vmem>> -> memref<1x128x128xf32, #tpu.memory_space<vmem>>
      %dma_wait3A_1135 = tpu.memref_squeeze %dma_wait3A_1134 : memref<1x128x128xf32, #tpu.memory_space<vmem>> -> memref<128x128xf32, #tpu.memory_space<vmem>>
      tpu.wait_dma2 semaphore(%run_scoped3A_1111 : memref<!tpu.dma_semaphore, #tpu.memory_space<semaphore_mem>>) src(%dma_wait3A_1135 : memref<128x128xf32, #tpu.memory_space<vmem>>) dst(%dma_wait3A_1131 : memref<128x128xf32, #tpu.memory_space<hbm>>)
      tpu.yield
    }) : () -> ()
    %dma_wait3A_958 = arith.constant 0 : i32
    %dma_wait3A_959 = arith.constant 0 : i32
    %dma_wait3A_960 = arith.constant 0 : i32
    %dma_wait3A_961 = arith.constant 0 : i32
    %dma_wait3A_962 = tpu.memref_slice %arg13[%dma_wait3A_959, %dma_wait3A_960, %dma_wait3A_961] : memref<2x128x128xf32, #tpu.memory_space<vmem>> -> memref<1x128x128xf32, #tpu.memory_space<vmem>>
    %dma_wait3A_963 = tpu.memref_squeeze %dma_wait3A_962 : memref<1x128x128xf32, #tpu.memory_space<vmem>> -> memref<128x128xf32, #tpu.memory_space<vmem>>
    %dma_wait3A_964 = arith.constant 0 : i32
    %dma_wait3A_965 = tpu.memref_slice %arg11[%dma_wait3A_958, %dma_wait3A_964] : memref<4x128xi32, #tpu.memory_space<vmem>> -> memref<1x128xi32, #tpu.memory_space<vmem>>
    %dma_wait3A_966 = tpu.memref_squeeze %dma_wait3A_965 : memref<1x128xi32, #tpu.memory_space<vmem>> -> memref<128xi32, #tpu.memory_space<vmem>>
    %dma_wait3A_967 = arith.constant 0 : i32
    %dma_wait3A_968 = arith.constant 0 : i32
    %dma_wait3A_969 = tpu.memref_slice %arg5[%dma_wait3A_967, %dma_wait3A_968] : memref<50000x128xf32, #tpu.memory_space<hbm>> -> memref<50000x128xf32, #tpu.memory_space<hbm>>
    tpu.wait_indirect_dma semaphore(%arg16 : memref<!tpu.dma_semaphore, #tpu.memory_space<semaphore_mem>>) src(%dma_wait3A_969 : memref<50000x128xf32, #tpu.memory_space<hbm>>) dst(%dma_wait3A_963 : memref<128x128xf32, #tpu.memory_space<vmem>>)
    %add3A_970 = arith.constant 0 : i32
    %add3A_971 = arith.addi %mul3A_4, %add3A_970 : i32
    %run_scoped3A_972 = arith.constant 0 : i32
    "tpu.region"() ({
      %run_scoped3A_1111 = tpu.sem_alloc : memref<!tpu.dma_semaphore, #tpu.memory_space<semaphore_mem>>
      %dma_start3A_1112 = arith.constant 0 : i32
      %dma_start3A_1113 = arith.constant 0 : i32
      %dma_start3A_1114 = tpu.memref_slice %arg13[%run_scoped3A_972, %dma_start3A_1112, %dma_start3A_1113] : memref<2x128x128xf32, #tpu.memory_space<vmem>> -> memref<1x128x128xf32, #tpu.memory_space<vmem>>
      %dma_start3A_1115 = tpu.memref_squeeze %dma_start3A_1114 : memref<1x128x128xf32, #tpu.memory_space<vmem>> -> memref<128x128xf32, #tpu.memory_space<vmem>>
      %dma_start3A_1116 = arith.constant 0 : i32
      %dma_start3A_1117 = tpu.memref_slice %arg7[%add3A_971, %dma_start3A_1116] : memref<16384x128xf32, #tpu.memory_space<hbm>> -> memref<128x128xf32, #tpu.memory_space<hbm>>
      %dma_start3A_1118 = arith.constant 0 : i32
      %dma_start3A_1119 = tpu.memref_slice %arg7[%add3A_971, %dma_start3A_1118] : memref<16384x128xf32, #tpu.memory_space<hbm>> -> memref<128x128xf32, #tpu.memory_space<hbm>>
      %dma_start3A_1120 = arith.constant 0 : i32
      %dma_start3A_1121 = arith.constant 0 : i32
      %dma_start3A_1122 = tpu.memref_slice %arg13[%run_scoped3A_972, %dma_start3A_1120, %dma_start3A_1121] : memref<2x128x128xf32, #tpu.memory_space<vmem>> -> memref<1x128x128xf32, #tpu.memory_space<vmem>>
      %dma_start3A_1123 = tpu.memref_squeeze %dma_start3A_1122 : memref<1x128x128xf32, #tpu.memory_space<vmem>> -> memref<128x128xf32, #tpu.memory_space<vmem>>
      tpu.enqueue_dma source(%dma_start3A_1123 : memref<128x128xf32, #tpu.memory_space<vmem>>) target(%dma_start3A_1119 : memref<128x128xf32, #tpu.memory_space<hbm>>) target_semaphore(%run_scoped3A_1111 : memref<!tpu.dma_semaphore, #tpu.memory_space<semaphore_mem>>)
      %dma_wait3A_1124 = arith.constant 0 : i32
      %dma_wait3A_1125 = arith.constant 0 : i32
      %dma_wait3A_1126 = tpu.memref_slice %arg13[%run_scoped3A_972, %dma_wait3A_1124, %dma_wait3A_1125] : memref<2x128x128xf32, #tpu.memory_space<vmem>> -> memref<1x128x128xf32, #tpu.memory_space<vmem>>
      %dma_wait3A_1127 = tpu.memref_squeeze %dma_wait3A_1126 : memref<1x128x128xf32, #tpu.memory_space<vmem>> -> memref<128x128xf32, #tpu.memory_space<vmem>>
      %dma_wait3A_1128 = arith.constant 0 : i32
      %dma_wait3A_1129 = tpu.memref_slice %arg7[%add3A_971, %dma_wait3A_1128] : memref<16384x128xf32, #tpu.memory_space<hbm>> -> memref<128x128xf32, #tpu.memory_space<hbm>>
      %dma_wait3A_1130 = arith.constant 0 : i32
      %dma_wait3A_1131 = tpu.memref_slice %arg7[%add3A_971, %dma_wait3A_1130] : memref<16384x128xf32, #tpu.memory_space<hbm>> -> memref<128x128xf32, #tpu.memory_space<hbm>>
      %dma_wait3A_1132 = arith.constant 0 : i32
      %dma_wait3A_1133 = arith.constant 0 : i32
      %dma_wait3A_1134 = tpu.memref_slice %arg13[%run_scoped3A_972, %dma_wait3A_1132, %dma_wait3A_1133] : memref<2x128x128xf32, #tpu.memory_space<vmem>> -> memref<1x128x128xf32, #tpu.memory_space<vmem>>
      %dma_wait3A_1135 = tpu.memref_squeeze %dma_wait3A_1134 : memref<1x128x128xf32, #tpu.memory_space<vmem>> -> memref<128x128xf32, #tpu.memory_space<vmem>>
      tpu.wait_dma2 semaphore(%run_scoped3A_1111 : memref<!tpu.dma_semaphore, #tpu.memory_space<semaphore_mem>>) src(%dma_wait3A_1135 : memref<128x128xf32, #tpu.memory_space<vmem>>) dst(%dma_wait3A_1131 : memref<128x128xf32, #tpu.memory_space<hbm>>)
      tpu.yield
    }) : () -> ()
    %dma_start3A_973 = arith.constant 2 : i32
    %dma_start3A_974 = arith.constant 0 : i32
    %dma_start3A_975 = arith.constant 0 : i32
    %dma_start3A_976 = arith.constant 0 : i32
    %dma_start3A_977 = tpu.memref_slice %arg12[%dma_start3A_974, %dma_start3A_975, %dma_start3A_976] : memref<2x128x128xf32, #tpu.memory_space<vmem>> -> memref<1x128x128xf32, #tpu.memory_space<vmem>>
    %dma_start3A_978 = tpu.memref_squeeze %dma_start3A_977 : memref<1x128x128xf32, #tpu.memory_space<vmem>> -> memref<128x128xf32, #tpu.memory_space<vmem>>
    %dma_start3A_979 = arith.constant 0 : i32
    %dma_start3A_980 = tpu.memref_slice %arg10[%dma_start3A_973, %dma_start3A_979] : memref<4x128xi32, #tpu.memory_space<vmem>> -> memref<1x128xi32, #tpu.memory_space<vmem>>
    %dma_start3A_981 = tpu.memref_squeeze %dma_start3A_980 : memref<1x128xi32, #tpu.memory_space<vmem>> -> memref<128xi32, #tpu.memory_space<vmem>>
    %dma_start3A_982 = arith.constant 0 : i32
    %dma_start3A_983 = arith.constant 0 : i32
    %dma_start3A_984 = tpu.memref_slice %arg4[%dma_start3A_982, %dma_start3A_983] : memref<500000x128xf32, #tpu.memory_space<hbm>> -> memref<500000x128xf32, #tpu.memory_space<hbm>>
    tpu.enqueue_indirect_dma source(%dma_start3A_984 : memref<500000x128xf32, #tpu.memory_space<hbm>>) target(%dma_start3A_978 : memref<128x128xf32, #tpu.memory_space<vmem>>) offsets(%dma_start3A_981 : memref<128xi32, #tpu.memory_space<vmem>>) semaphore(%arg14 : memref<!tpu.dma_semaphore, #tpu.memory_space<semaphore_mem>>)
    %dma_start3A_985 = arith.constant 2 : i32
    %dma_start3A_986 = arith.constant 0 : i32
    %dma_start3A_987 = arith.constant 0 : i32
    %dma_start3A_988 = arith.constant 0 : i32
    %dma_start3A_989 = tpu.memref_slice %arg13[%dma_start3A_986, %dma_start3A_987, %dma_start3A_988] : memref<2x128x128xf32, #tpu.memory_space<vmem>> -> memref<1x128x128xf32, #tpu.memory_space<vmem>>
    %dma_start3A_990 = tpu.memref_squeeze %dma_start3A_989 : memref<1x128x128xf32, #tpu.memory_space<vmem>> -> memref<128x128xf32, #tpu.memory_space<vmem>>
    %dma_start3A_991 = arith.constant 0 : i32
    %dma_start3A_992 = tpu.memref_slice %arg11[%dma_start3A_985, %dma_start3A_991] : memref<4x128xi32, #tpu.memory_space<vmem>> -> memref<1x128xi32, #tpu.memory_space<vmem>>
    %dma_start3A_993 = tpu.memref_squeeze %dma_start3A_992 : memref<1x128xi32, #tpu.memory_space<vmem>> -> memref<128xi32, #tpu.memory_space<vmem>>
    %dma_start3A_994 = arith.constant 0 : i32
    %dma_start3A_995 = arith.constant 0 : i32
    %dma_start3A_996 = tpu.memref_slice %arg5[%dma_start3A_994, %dma_start3A_995] : memref<50000x128xf32, #tpu.memory_space<hbm>> -> memref<50000x128xf32, #tpu.memory_space<hbm>>
    tpu.enqueue_indirect_dma source(%dma_start3A_996 : memref<50000x128xf32, #tpu.memory_space<hbm>>) target(%dma_start3A_990 : memref<128x128xf32, #tpu.memory_space<vmem>>) offsets(%dma_start3A_993 : memref<128xi32, #tpu.memory_space<vmem>>) semaphore(%arg16 : memref<!tpu.dma_semaphore, #tpu.memory_space<semaphore_mem>>)
    %dma_wait3A_997 = arith.constant 1 : i32
    %dma_wait3A_998 = arith.constant 1 : i32
    %dma_wait3A_999 = arith.constant 0 : i32
    %dma_wait3A_1000 = arith.constant 0 : i32
    %dma_wait3A_1001 = tpu.memref_slice %arg12[%dma_wait3A_998, %dma_wait3A_999, %dma_wait3A_1000] : memref<2x128x128xf32, #tpu.memory_space<vmem>> -> memref<1x128x128xf32, #tpu.memory_space<vmem>>
    %dma_wait3A_1002 = tpu.memref_squeeze %dma_wait3A_1001 : memref<1x128x128xf32, #tpu.memory_space<vmem>> -> memref<128x128xf32, #tpu.memory_space<vmem>>
    %dma_wait3A_1003 = arith.constant 0 : i32
    %dma_wait3A_1004 = tpu.memref_slice %arg10[%dma_wait3A_997, %dma_wait3A_1003] : memref<4x128xi32, #tpu.memory_space<vmem>> -> memref<1x128xi32, #tpu.memory_space<vmem>>
    %dma_wait3A_1005 = tpu.memref_squeeze %dma_wait3A_1004 : memref<1x128xi32, #tpu.memory_space<vmem>> -> memref<128xi32, #tpu.memory_space<vmem>>
    %dma_wait3A_1006 = arith.constant 0 : i32
    %dma_wait3A_1007 = arith.constant 0 : i32
    %dma_wait3A_1008 = tpu.memref_slice %arg4[%dma_wait3A_1006, %dma_wait3A_1007] : memref<500000x128xf32, #tpu.memory_space<hbm>> -> memref<500000x128xf32, #tpu.memory_space<hbm>>
    tpu.wait_indirect_dma semaphore(%arg15 : memref<!tpu.dma_semaphore, #tpu.memory_space<semaphore_mem>>) src(%dma_wait3A_1008 : memref<500000x128xf32, #tpu.memory_space<hbm>>) dst(%dma_wait3A_1002 : memref<128x128xf32, #tpu.memory_space<vmem>>)
    %add3A_1009 = arith.constant 128 : i32
    %add3A_1010 = arith.addi %mul3A_4, %add3A_1009 : i32
    %run_scoped3A_1011 = arith.constant 1 : i32
    "tpu.region"() ({
      %run_scoped3A_1111 = tpu.sem_alloc : memref<!tpu.dma_semaphore, #tpu.memory_space<semaphore_mem>>
      %dma_start3A_1112 = arith.constant 0 : i32
      %dma_start3A_1113 = arith.constant 0 : i32
      %dma_start3A_1114 = tpu.memref_slice %arg12[%run_scoped3A_1011, %dma_start3A_1112, %dma_start3A_1113] : memref<2x128x128xf32, #tpu.memory_space<vmem>> -> memref<1x128x128xf32, #tpu.memory_space<vmem>>
      %dma_start3A_1115 = tpu.memref_squeeze %dma_start3A_1114 : memref<1x128x128xf32, #tpu.memory_space<vmem>> -> memref<128x128xf32, #tpu.memory_space<vmem>>
      %dma_start3A_1116 = arith.constant 0 : i32
      %dma_start3A_1117 = tpu.memref_slice %arg6[%add3A_1010, %dma_start3A_1116] : memref<16384x128xf32, #tpu.memory_space<hbm>> -> memref<128x128xf32, #tpu.memory_space<hbm>>
      %dma_start3A_1118 = arith.constant 0 : i32
      %dma_start3A_1119 = tpu.memref_slice %arg6[%add3A_1010, %dma_start3A_1118] : memref<16384x128xf32, #tpu.memory_space<hbm>> -> memref<128x128xf32, #tpu.memory_space<hbm>>
      %dma_start3A_1120 = arith.constant 0 : i32
      %dma_start3A_1121 = arith.constant 0 : i32
      %dma_start3A_1122 = tpu.memref_slice %arg12[%run_scoped3A_1011, %dma_start3A_1120, %dma_start3A_1121] : memref<2x128x128xf32, #tpu.memory_space<vmem>> -> memref<1x128x128xf32, #tpu.memory_space<vmem>>
      %dma_start3A_1123 = tpu.memref_squeeze %dma_start3A_1122 : memref<1x128x128xf32, #tpu.memory_space<vmem>> -> memref<128x128xf32, #tpu.memory_space<vmem>>
      tpu.enqueue_dma source(%dma_start3A_1123 : memref<128x128xf32, #tpu.memory_space<vmem>>) target(%dma_start3A_1119 : memref<128x128xf32, #tpu.memory_space<hbm>>) target_semaphore(%run_scoped3A_1111 : memref<!tpu.dma_semaphore, #tpu.memory_space<semaphore_mem>>)
      %dma_wait3A_1124 = arith.constant 0 : i32
      %dma_wait3A_1125 = arith.constant 0 : i32
      %dma_wait3A_1126 = tpu.memref_slice %arg12[%run_scoped3A_1011, %dma_wait3A_1124, %dma_wait3A_1125] : memref<2x128x128xf32, #tpu.memory_space<vmem>> -> memref<1x128x128xf32, #tpu.memory_space<vmem>>
      %dma_wait3A_1127 = tpu.memref_squeeze %dma_wait3A_1126 : memref<1x128x128xf32, #tpu.memory_space<vmem>> -> memref<128x128xf32, #tpu.memory_space<vmem>>
      %dma_wait3A_1128 = arith.constant 0 : i32
      %dma_wait3A_1129 = tpu.memref_slice %arg6[%add3A_1010, %dma_wait3A_1128] : memref<16384x128xf32, #tpu.memory_space<hbm>> -> memref<128x128xf32, #tpu.memory_space<hbm>>
      %dma_wait3A_1130 = arith.constant 0 : i32
      %dma_wait3A_1131 = tpu.memref_slice %arg6[%add3A_1010, %dma_wait3A_1130] : memref<16384x128xf32, #tpu.memory_space<hbm>> -> memref<128x128xf32, #tpu.memory_space<hbm>>
      %dma_wait3A_1132 = arith.constant 0 : i32
      %dma_wait3A_1133 = arith.constant 0 : i32
      %dma_wait3A_1134 = tpu.memref_slice %arg12[%run_scoped3A_1011, %dma_wait3A_1132, %dma_wait3A_1133] : memref<2x128x128xf32, #tpu.memory_space<vmem>> -> memref<1x128x128xf32, #tpu.memory_space<vmem>>
      %dma_wait3A_1135 = tpu.memref_squeeze %dma_wait3A_1134 : memref<1x128x128xf32, #tpu.memory_space<vmem>> -> memref<128x128xf32, #tpu.memory_space<vmem>>
      tpu.wait_dma2 semaphore(%run_scoped3A_1111 : memref<!tpu.dma_semaphore, #tpu.memory_space<semaphore_mem>>) src(%dma_wait3A_1135 : memref<128x128xf32, #tpu.memory_space<vmem>>) dst(%dma_wait3A_1131 : memref<128x128xf32, #tpu.memory_space<hbm>>)
      tpu.yield
    }) : () -> ()
    %dma_wait3A_1012 = arith.constant 1 : i32
    %dma_wait3A_1013 = arith.constant 1 : i32
    %dma_wait3A_1014 = arith.constant 0 : i32
    %dma_wait3A_1015 = arith.constant 0 : i32
    %dma_wait3A_1016 = tpu.memref_slice %arg13[%dma_wait3A_1013, %dma_wait3A_1014, %dma_wait3A_1015] : memref<2x128x128xf32, #tpu.memory_space<vmem>> -> memref<1x128x128xf32, #tpu.memory_space<vmem>>
    %dma_wait3A_1017 = tpu.memref_squeeze %dma_wait3A_1016 : memref<1x128x128xf32, #tpu.memory_space<vmem>> -> memref<128x128xf32, #tpu.memory_space<vmem>>
    %dma_wait3A_1018 = arith.constant 0 : i32
    %dma_wait3A_1019 = tpu.memref_slice %arg11[%dma_wait3A_1012, %dma_wait3A_1018] : memref<4x128xi32, #tpu.memory_space<vmem>> -> memref<1x128xi32, #tpu.memory_space<vmem>>
    %dma_wait3A_1020 = tpu.memref_squeeze %dma_wait3A_1019 : memref<1x128xi32, #tpu.memory_space<vmem>> -> memref<128xi32, #tpu.memory_space<vmem>>
    %dma_wait3A_1021 = arith.constant 0 : i32
    %dma_wait3A_1022 = arith.constant 0 : i32
    %dma_wait3A_1023 = tpu.memref_slice %arg5[%dma_wait3A_1021, %dma_wait3A_1022] : memref<50000x128xf32, #tpu.memory_space<hbm>> -> memref<50000x128xf32, #tpu.memory_space<hbm>>
    tpu.wait_indirect_dma semaphore(%arg17 : memref<!tpu.dma_semaphore, #tpu.memory_space<semaphore_mem>>) src(%dma_wait3A_1023 : memref<50000x128xf32, #tpu.memory_space<hbm>>) dst(%dma_wait3A_1017 : memref<128x128xf32, #tpu.memory_space<vmem>>)
    %add3A_1024 = arith.constant 128 : i32
    %add3A_1025 = arith.addi %mul3A_4, %add3A_1024 : i32
    %run_scoped3A_1026 = arith.constant 1 : i32
    "tpu.region"() ({
      %run_scoped3A_1111 = tpu.sem_alloc : memref<!tpu.dma_semaphore, #tpu.memory_space<semaphore_mem>>
      %dma_start3A_1112 = arith.constant 0 : i32
      %dma_start3A_1113 = arith.constant 0 : i32
      %dma_start3A_1114 = tpu.memref_slice %arg13[%run_scoped3A_1026, %dma_start3A_1112, %dma_start3A_1113] : memref<2x128x128xf32, #tpu.memory_space<vmem>> -> memref<1x128x128xf32, #tpu.memory_space<vmem>>
      %dma_start3A_1115 = tpu.memref_squeeze %dma_start3A_1114 : memref<1x128x128xf32, #tpu.memory_space<vmem>> -> memref<128x128xf32, #tpu.memory_space<vmem>>
      %dma_start3A_1116 = arith.constant 0 : i32
      %dma_start3A_1117 = tpu.memref_slice %arg7[%add3A_1025, %dma_start3A_1116] : memref<16384x128xf32, #tpu.memory_space<hbm>> -> memref<128x128xf32, #tpu.memory_space<hbm>>
      %dma_start3A_1118 = arith.constant 0 : i32
      %dma_start3A_1119 = tpu.memref_slice %arg7[%add3A_1025, %dma_start3A_1118] : memref<16384x128xf32, #tpu.memory_space<hbm>> -> memref<128x128xf32, #tpu.memory_space<hbm>>
      %dma_start3A_1120 = arith.constant 0 : i32
      %dma_start3A_1121 = arith.constant 0 : i32
      %dma_start3A_1122 = tpu.memref_slice %arg13[%run_scoped3A_1026, %dma_start3A_1120, %dma_start3A_1121] : memref<2x128x128xf32, #tpu.memory_space<vmem>> -> memref<1x128x128xf32, #tpu.memory_space<vmem>>
      %dma_start3A_1123 = tpu.memref_squeeze %dma_start3A_1122 : memref<1x128x128xf32, #tpu.memory_space<vmem>> -> memref<128x128xf32, #tpu.memory_space<vmem>>
      tpu.enqueue_dma source(%dma_start3A_1123 : memref<128x128xf32, #tpu.memory_space<vmem>>) target(%dma_start3A_1119 : memref<128x128xf32, #tpu.memory_space<hbm>>) target_semaphore(%run_scoped3A_1111 : memref<!tpu.dma_semaphore, #tpu.memory_space<semaphore_mem>>)
      %dma_wait3A_1124 = arith.constant 0 : i32
      %dma_wait3A_1125 = arith.constant 0 : i32
      %dma_wait3A_1126 = tpu.memref_slice %arg13[%run_scoped3A_1026, %dma_wait3A_1124, %dma_wait3A_1125] : memref<2x128x128xf32, #tpu.memory_space<vmem>> -> memref<1x128x128xf32, #tpu.memory_space<vmem>>
      %dma_wait3A_1127 = tpu.memref_squeeze %dma_wait3A_1126 : memref<1x128x128xf32, #tpu.memory_space<vmem>> -> memref<128x128xf32, #tpu.memory_space<vmem>>
      %dma_wait3A_1128 = arith.constant 0 : i32
      %dma_wait3A_1129 = tpu.memref_slice %arg7[%add3A_1025, %dma_wait3A_1128] : memref<16384x128xf32, #tpu.memory_space<hbm>> -> memref<128x128xf32, #tpu.memory_space<hbm>>
      %dma_wait3A_1130 = arith.constant 0 : i32
      %dma_wait3A_1131 = tpu.memref_slice %arg7[%add3A_1025, %dma_wait3A_1130] : memref<16384x128xf32, #tpu.memory_space<hbm>> -> memref<128x128xf32, #tpu.memory_space<hbm>>
      %dma_wait3A_1132 = arith.constant 0 : i32
      %dma_wait3A_1133 = arith.constant 0 : i32
      %dma_wait3A_1134 = tpu.memref_slice %arg13[%run_scoped3A_1026, %dma_wait3A_1132, %dma_wait3A_1133] : memref<2x128x128xf32, #tpu.memory_space<vmem>> -> memref<1x128x128xf32, #tpu.memory_space<vmem>>
      %dma_wait3A_1135 = tpu.memref_squeeze %dma_wait3A_1134 : memref<1x128x128xf32, #tpu.memory_space<vmem>> -> memref<128x128xf32, #tpu.memory_space<vmem>>
      tpu.wait_dma2 semaphore(%run_scoped3A_1111 : memref<!tpu.dma_semaphore, #tpu.memory_space<semaphore_mem>>) src(%dma_wait3A_1135 : memref<128x128xf32, #tpu.memory_space<vmem>>) dst(%dma_wait3A_1131 : memref<128x128xf32, #tpu.memory_space<hbm>>)
      tpu.yield
    }) : () -> ()
    %dma_start3A_1027 = arith.constant 3 : i32
    %dma_start3A_1028 = arith.constant 1 : i32
    %dma_start3A_1029 = arith.constant 0 : i32
    %dma_start3A_1030 = arith.constant 0 : i32
    %dma_start3A_1031 = tpu.memref_slice %arg12[%dma_start3A_1028, %dma_start3A_1029, %dma_start3A_1030] : memref<2x128x128xf32, #tpu.memory_space<vmem>> -> memref<1x128x128xf32, #tpu.memory_space<vmem>>
    %dma_start3A_1032 = tpu.memref_squeeze %dma_start3A_1031 : memref<1x128x128xf32, #tpu.memory_space<vmem>> -> memref<128x128xf32, #tpu.memory_space<vmem>>
    %dma_start3A_1033 = arith.constant 0 : i32
    %dma_start3A_1034 = tpu.memref_slice %arg10[%dma_start3A_1027, %dma_start3A_1033] : memref<4x128xi32, #tpu.memory_space<vmem>> -> memref<1x128xi32, #tpu.memory_space<vmem>>
    %dma_start3A_1035 = tpu.memref_squeeze %dma_start3A_1034 : memref<1x128xi32, #tpu.memory_space<vmem>> -> memref<128xi32, #tpu.memory_space<vmem>>
    %dma_start3A_1036 = arith.constant 0 : i32
    %dma_start3A_1037 = arith.constant 0 : i32
    %dma_start3A_1038 = tpu.memref_slice %arg4[%dma_start3A_1036, %dma_start3A_1037] : memref<500000x128xf32, #tpu.memory_space<hbm>> -> memref<500000x128xf32, #tpu.memory_space<hbm>>
    tpu.enqueue_indirect_dma source(%dma_start3A_1038 : memref<500000x128xf32, #tpu.memory_space<hbm>>) target(%dma_start3A_1032 : memref<128x128xf32, #tpu.memory_space<vmem>>) offsets(%dma_start3A_1035 : memref<128xi32, #tpu.memory_space<vmem>>) semaphore(%arg15 : memref<!tpu.dma_semaphore, #tpu.memory_space<semaphore_mem>>)
    %dma_start3A_1039 = arith.constant 3 : i32
    %dma_start3A_1040 = arith.constant 1 : i32
    %dma_start3A_1041 = arith.constant 0 : i32
    %dma_start3A_1042 = arith.constant 0 : i32
    %dma_start3A_1043 = tpu.memref_slice %arg13[%dma_start3A_1040, %dma_start3A_1041, %dma_start3A_1042] : memref<2x128x128xf32, #tpu.memory_space<vmem>> -> memref<1x128x128xf32, #tpu.memory_space<vmem>>
    %dma_start3A_1044 = tpu.memref_squeeze %dma_start3A_1043 : memref<1x128x128xf32, #tpu.memory_space<vmem>> -> memref<128x128xf32, #tpu.memory_space<vmem>>
    %dma_start3A_1045 = arith.constant 0 : i32
    %dma_start3A_1046 = tpu.memref_slice %arg11[%dma_start3A_1039, %dma_start3A_1045] : memref<4x128xi32, #tpu.memory_space<vmem>> -> memref<1x128xi32, #tpu.memory_space<vmem>>
    %dma_start3A_1047 = tpu.memref_squeeze %dma_start3A_1046 : memref<1x128xi32, #tpu.memory_space<vmem>> -> memref<128xi32, #tpu.memory_space<vmem>>
    %dma_start3A_1048 = arith.constant 0 : i32
    %dma_start3A_1049 = arith.constant 0 : i32
    %dma_start3A_1050 = tpu.memref_slice %arg5[%dma_start3A_1048, %dma_start3A_1049] : memref<50000x128xf32, #tpu.memory_space<hbm>> -> memref<50000x128xf32, #tpu.memory_space<hbm>>
    tpu.enqueue_indirect_dma source(%dma_start3A_1050 : memref<50000x128xf32, #tpu.memory_space<hbm>>) target(%dma_start3A_1044 : memref<128x128xf32, #tpu.memory_space<vmem>>) offsets(%dma_start3A_1047 : memref<128xi32, #tpu.memory_space<vmem>>) semaphore(%arg17 : memref<!tpu.dma_semaphore, #tpu.memory_space<semaphore_mem>>)
    %dma_wait3A_1051 = arith.constant 2 : i32
    %dma_wait3A_1052 = arith.constant 0 : i32
    %dma_wait3A_1053 = arith.constant 0 : i32
    %dma_wait3A_1054 = arith.constant 0 : i32
    %dma_wait3A_1055 = tpu.memref_slice %arg12[%dma_wait3A_1052, %dma_wait3A_1053, %dma_wait3A_1054] : memref<2x128x128xf32, #tpu.memory_space<vmem>> -> memref<1x128x128xf32, #tpu.memory_space<vmem>>
    %dma_wait3A_1056 = tpu.memref_squeeze %dma_wait3A_1055 : memref<1x128x128xf32, #tpu.memory_space<vmem>> -> memref<128x128xf32, #tpu.memory_space<vmem>>
    %dma_wait3A_1057 = arith.constant 0 : i32
    %dma_wait3A_1058 = tpu.memref_slice %arg10[%dma_wait3A_1051, %dma_wait3A_1057] : memref<4x128xi32, #tpu.memory_space<vmem>> -> memref<1x128xi32, #tpu.memory_space<vmem>>
    %dma_wait3A_1059 = tpu.memref_squeeze %dma_wait3A_1058 : memref<1x128xi32, #tpu.memory_space<vmem>> -> memref<128xi32, #tpu.memory_space<vmem>>
    %dma_wait3A_1060 = arith.constant 0 : i32
    %dma_wait3A_1061 = arith.constant 0 : i32
    %dma_wait3A_1062 = tpu.memref_slice %arg4[%dma_wait3A_1060, %dma_wait3A_1061] : memref<500000x128xf32, #tpu.memory_space<hbm>> -> memref<500000x128xf32, #tpu.memory_space<hbm>>
    tpu.wait_indirect_dma semaphore(%arg14 : memref<!tpu.dma_semaphore, #tpu.memory_space<semaphore_mem>>) src(%dma_wait3A_1062 : memref<500000x128xf32, #tpu.memory_space<hbm>>) dst(%dma_wait3A_1056 : memref<128x128xf32, #tpu.memory_space<vmem>>)
    %add3A_1063 = arith.constant 256 : i32
    %add3A_1064 = arith.addi %mul3A_4, %add3A_1063 : i32
    %run_scoped3A_1065 = arith.constant 0 : i32
    "tpu.region"() ({
      %run_scoped3A_1111 = tpu.sem_alloc : memref<!tpu.dma_semaphore, #tpu.memory_space<semaphore_mem>>
      %dma_start3A_1112 = arith.constant 0 : i32
      %dma_start3A_1113 = arith.constant 0 : i32
      %dma_start3A_1114 = tpu.memref_slice %arg12[%run_scoped3A_1065, %dma_start3A_1112, %dma_start3A_1113] : memref<2x128x128xf32, #tpu.memory_space<vmem>> -> memref<1x128x128xf32, #tpu.memory_space<vmem>>
      %dma_start3A_1115 = tpu.memref_squeeze %dma_start3A_1114 : memref<1x128x128xf32, #tpu.memory_space<vmem>> -> memref<128x128xf32, #tpu.memory_space<vmem>>
      %dma_start3A_1116 = arith.constant 0 : i32
      %dma_start3A_1117 = tpu.memref_slice %arg6[%add3A_1064, %dma_start3A_1116] : memref<16384x128xf32, #tpu.memory_space<hbm>> -> memref<128x128xf32, #tpu.memory_space<hbm>>
      %dma_start3A_1118 = arith.constant 0 : i32
      %dma_start3A_1119 = tpu.memref_slice %arg6[%add3A_1064, %dma_start3A_1118] : memref<16384x128xf32, #tpu.memory_space<hbm>> -> memref<128x128xf32, #tpu.memory_space<hbm>>
      %dma_start3A_1120 = arith.constant 0 : i32
      %dma_start3A_1121 = arith.constant 0 : i32
      %dma_start3A_1122 = tpu.memref_slice %arg12[%run_scoped3A_1065, %dma_start3A_1120, %dma_start3A_1121] : memref<2x128x128xf32, #tpu.memory_space<vmem>> -> memref<1x128x128xf32, #tpu.memory_space<vmem>>
      %dma_start3A_1123 = tpu.memref_squeeze %dma_start3A_1122 : memref<1x128x128xf32, #tpu.memory_space<vmem>> -> memref<128x128xf32, #tpu.memory_space<vmem>>
      tpu.enqueue_dma source(%dma_start3A_1123 : memref<128x128xf32, #tpu.memory_space<vmem>>) target(%dma_start3A_1119 : memref<128x128xf32, #tpu.memory_space<hbm>>) target_semaphore(%run_scoped3A_1111 : memref<!tpu.dma_semaphore, #tpu.memory_space<semaphore_mem>>)
      %dma_wait3A_1124 = arith.constant 0 : i32
      %dma_wait3A_1125 = arith.constant 0 : i32
      %dma_wait3A_1126 = tpu.memref_slice %arg12[%run_scoped3A_1065, %dma_wait3A_1124, %dma_wait3A_1125] : memref<2x128x128xf32, #tpu.memory_space<vmem>> -> memref<1x128x128xf32, #tpu.memory_space<vmem>>
      %dma_wait3A_1127 = tpu.memref_squeeze %dma_wait3A_1126 : memref<1x128x128xf32, #tpu.memory_space<vmem>> -> memref<128x128xf32, #tpu.memory_space<vmem>>
      %dma_wait3A_1128 = arith.constant 0 : i32
      %dma_wait3A_1129 = tpu.memref_slice %arg6[%add3A_1064, %dma_wait3A_1128] : memref<16384x128xf32, #tpu.memory_space<hbm>> -> memref<128x128xf32, #tpu.memory_space<hbm>>
      %dma_wait3A_1130 = arith.constant 0 : i32
      %dma_wait3A_1131 = tpu.memref_slice %arg6[%add3A_1064, %dma_wait3A_1130] : memref<16384x128xf32, #tpu.memory_space<hbm>> -> memref<128x128xf32, #tpu.memory_space<hbm>>
      %dma_wait3A_1132 = arith.constant 0 : i32
      %dma_wait3A_1133 = arith.constant 0 : i32
      %dma_wait3A_1134 = tpu.memref_slice %arg12[%run_scoped3A_1065, %dma_wait3A_1132, %dma_wait3A_1133] : memref<2x128x128xf32, #tpu.memory_space<vmem>> -> memref<1x128x128xf32, #tpu.memory_space<vmem>>
      %dma_wait3A_1135 = tpu.memref_squeeze %dma_wait3A_1134 : memref<1x128x128xf32, #tpu.memory_space<vmem>> -> memref<128x128xf32, #tpu.memory_space<vmem>>
      tpu.wait_dma2 semaphore(%run_scoped3A_1111 : memref<!tpu.dma_semaphore, #tpu.memory_space<semaphore_mem>>) src(%dma_wait3A_1135 : memref<128x128xf32, #tpu.memory_space<vmem>>) dst(%dma_wait3A_1131 : memref<128x128xf32, #tpu.memory_space<hbm>>)
      tpu.yield
    }) : () -> ()
    %dma_wait3A_1066 = arith.constant 2 : i32
    %dma_wait3A_1067 = arith.constant 0 : i32
    %dma_wait3A_1068 = arith.constant 0 : i32
    %dma_wait3A_1069 = arith.constant 0 : i32
    %dma_wait3A_1070 = tpu.memref_slice %arg13[%dma_wait3A_1067, %dma_wait3A_1068, %dma_wait3A_1069] : memref<2x128x128xf32, #tpu.memory_space<vmem>> -> memref<1x128x128xf32, #tpu.memory_space<vmem>>
    %dma_wait3A_1071 = tpu.memref_squeeze %dma_wait3A_1070 : memref<1x128x128xf32, #tpu.memory_space<vmem>> -> memref<128x128xf32, #tpu.memory_space<vmem>>
    %dma_wait3A_1072 = arith.constant 0 : i32
    %dma_wait3A_1073 = tpu.memref_slice %arg11[%dma_wait3A_1066, %dma_wait3A_1072] : memref<4x128xi32, #tpu.memory_space<vmem>> -> memref<1x128xi32, #tpu.memory_space<vmem>>
    %dma_wait3A_1074 = tpu.memref_squeeze %dma_wait3A_1073 : memref<1x128xi32, #tpu.memory_space<vmem>> -> memref<128xi32, #tpu.memory_space<vmem>>
    %dma_wait3A_1075 = arith.constant 0 : i32
    %dma_wait3A_1076 = arith.constant 0 : i32
    %dma_wait3A_1077 = tpu.memref_slice %arg5[%dma_wait3A_1075, %dma_wait3A_1076] : memref<50000x128xf32, #tpu.memory_space<hbm>> -> memref<50000x128xf32, #tpu.memory_space<hbm>>
    tpu.wait_indirect_dma semaphore(%arg16 : memref<!tpu.dma_semaphore, #tpu.memory_space<semaphore_mem>>) src(%dma_wait3A_1077 : memref<50000x128xf32, #tpu.memory_space<hbm>>) dst(%dma_wait3A_1071 : memref<128x128xf32, #tpu.memory_space<vmem>>)
    %add3A_1078 = arith.constant 256 : i32
    %add3A_1079 = arith.addi %mul3A_4, %add3A_1078 : i32
    %run_scoped3A_1080 = arith.constant 0 : i32
    "tpu.region"() ({
      %run_scoped3A_1111 = tpu.sem_alloc : memref<!tpu.dma_semaphore, #tpu.memory_space<semaphore_mem>>
      %dma_start3A_1112 = arith.constant 0 : i32
      %dma_start3A_1113 = arith.constant 0 : i32
      %dma_start3A_1114 = tpu.memref_slice %arg13[%run_scoped3A_1080, %dma_start3A_1112, %dma_start3A_1113] : memref<2x128x128xf32, #tpu.memory_space<vmem>> -> memref<1x128x128xf32, #tpu.memory_space<vmem>>
      %dma_start3A_1115 = tpu.memref_squeeze %dma_start3A_1114 : memref<1x128x128xf32, #tpu.memory_space<vmem>> -> memref<128x128xf32, #tpu.memory_space<vmem>>
      %dma_start3A_1116 = arith.constant 0 : i32
      %dma_start3A_1117 = tpu.memref_slice %arg7[%add3A_1079, %dma_start3A_1116] : memref<16384x128xf32, #tpu.memory_space<hbm>> -> memref<128x128xf32, #tpu.memory_space<hbm>>
      %dma_start3A_1118 = arith.constant 0 : i32
      %dma_start3A_1119 = tpu.memref_slice %arg7[%add3A_1079, %dma_start3A_1118] : memref<16384x128xf32, #tpu.memory_space<hbm>> -> memref<128x128xf32, #tpu.memory_space<hbm>>
      %dma_start3A_1120 = arith.constant 0 : i32
      %dma_start3A_1121 = arith.constant 0 : i32
      %dma_start3A_1122 = tpu.memref_slice %arg13[%run_scoped3A_1080, %dma_start3A_1120, %dma_start3A_1121] : memref<2x128x128xf32, #tpu.memory_space<vmem>> -> memref<1x128x128xf32, #tpu.memory_space<vmem>>
      %dma_start3A_1123 = tpu.memref_squeeze %dma_start3A_1122 : memref<1x128x128xf32, #tpu.memory_space<vmem>> -> memref<128x128xf32, #tpu.memory_space<vmem>>
      tpu.enqueue_dma source(%dma_start3A_1123 : memref<128x128xf32, #tpu.memory_space<vmem>>) target(%dma_start3A_1119 : memref<128x128xf32, #tpu.memory_space<hbm>>) target_semaphore(%run_scoped3A_1111 : memref<!tpu.dma_semaphore, #tpu.memory_space<semaphore_mem>>)
      %dma_wait3A_1124 = arith.constant 0 : i32
      %dma_wait3A_1125 = arith.constant 0 : i32
      %dma_wait3A_1126 = tpu.memref_slice %arg13[%run_scoped3A_1080, %dma_wait3A_1124, %dma_wait3A_1125] : memref<2x128x128xf32, #tpu.memory_space<vmem>> -> memref<1x128x128xf32, #tpu.memory_space<vmem>>
      %dma_wait3A_1127 = tpu.memref_squeeze %dma_wait3A_1126 : memref<1x128x128xf32, #tpu.memory_space<vmem>> -> memref<128x128xf32, #tpu.memory_space<vmem>>
      %dma_wait3A_1128 = arith.constant 0 : i32
      %dma_wait3A_1129 = tpu.memref_slice %arg7[%add3A_1079, %dma_wait3A_1128] : memref<16384x128xf32, #tpu.memory_space<hbm>> -> memref<128x128xf32, #tpu.memory_space<hbm>>
      %dma_wait3A_1130 = arith.constant 0 : i32
      %dma_wait3A_1131 = tpu.memref_slice %arg7[%add3A_1079, %dma_wait3A_1130] : memref<16384x128xf32, #tpu.memory_space<hbm>> -> memref<128x128xf32, #tpu.memory_space<hbm>>
      %dma_wait3A_1132 = arith.constant 0 : i32
      %dma_wait3A_1133 = arith.constant 0 : i32
      %dma_wait3A_1134 = tpu.memref_slice %arg13[%run_scoped3A_1080, %dma_wait3A_1132, %dma_wait3A_1133] : memref<2x128x128xf32, #tpu.memory_space<vmem>> -> memref<1x128x128xf32, #tpu.memory_space<vmem>>
      %dma_wait3A_1135 = tpu.memref_squeeze %dma_wait3A_1134 : memref<1x128x128xf32, #tpu.memory_space<vmem>> -> memref<128x128xf32, #tpu.memory_space<vmem>>
      tpu.wait_dma2 semaphore(%run_scoped3A_1111 : memref<!tpu.dma_semaphore, #tpu.memory_space<semaphore_mem>>) src(%dma_wait3A_1135 : memref<128x128xf32, #tpu.memory_space<vmem>>) dst(%dma_wait3A_1131 : memref<128x128xf32, #tpu.memory_space<hbm>>)
      tpu.yield
    }) : () -> ()
    %dma_wait3A_1081 = arith.constant 3 : i32
    %dma_wait3A_1082 = arith.constant 1 : i32
    %dma_wait3A_1083 = arith.constant 0 : i32
    %dma_wait3A_1084 = arith.constant 0 : i32
    %dma_wait3A_1085 = tpu.memref_slice %arg12[%dma_wait3A_1082, %dma_wait3A_1083, %dma_wait3A_1084] : memref<2x128x128xf32, #tpu.memory_space<vmem>> -> memref<1x128x128xf32, #tpu.memory_space<vmem>>
    %dma_wait3A_1086 = tpu.memref_squeeze %dma_wait3A_1085 : memref<1x128x128xf32, #tpu.memory_space<vmem>> -> memref<128x128xf32, #tpu.memory_space<vmem>>
    %dma_wait3A_1087 = arith.constant 0 : i32
    %dma_wait3A_1088 = tpu.memref_slice %arg10[%dma_wait3A_1081, %dma_wait3A_1087] : memref<4x128xi32, #tpu.memory_space<vmem>> -> memref<1x128xi32, #tpu.memory_space<vmem>>
    %dma_wait3A_1089 = tpu.memref_squeeze %dma_wait3A_1088 : memref<1x128xi32, #tpu.memory_space<vmem>> -> memref<128xi32, #tpu.memory_space<vmem>>
    %dma_wait3A_1090 = arith.constant 0 : i32
    %dma_wait3A_1091 = arith.constant 0 : i32
    %dma_wait3A_1092 = tpu.memref_slice %arg4[%dma_wait3A_1090, %dma_wait3A_1091] : memref<500000x128xf32, #tpu.memory_space<hbm>> -> memref<500000x128xf32, #tpu.memory_space<hbm>>
    tpu.wait_indirect_dma semaphore(%arg15 : memref<!tpu.dma_semaphore, #tpu.memory_space<semaphore_mem>>) src(%dma_wait3A_1092 : memref<500000x128xf32, #tpu.memory_space<hbm>>) dst(%dma_wait3A_1086 : memref<128x128xf32, #tpu.memory_space<vmem>>)
    %add3A_1093 = arith.constant 384 : i32
    %add3A_1094 = arith.addi %mul3A_4, %add3A_1093 : i32
    %run_scoped3A_1095 = arith.constant 1 : i32
    "tpu.region"() ({
      %run_scoped3A_1111 = tpu.sem_alloc : memref<!tpu.dma_semaphore, #tpu.memory_space<semaphore_mem>>
      %dma_start3A_1112 = arith.constant 0 : i32
      %dma_start3A_1113 = arith.constant 0 : i32
      %dma_start3A_1114 = tpu.memref_slice %arg12[%run_scoped3A_1095, %dma_start3A_1112, %dma_start3A_1113] : memref<2x128x128xf32, #tpu.memory_space<vmem>> -> memref<1x128x128xf32, #tpu.memory_space<vmem>>
      %dma_start3A_1115 = tpu.memref_squeeze %dma_start3A_1114 : memref<1x128x128xf32, #tpu.memory_space<vmem>> -> memref<128x128xf32, #tpu.memory_space<vmem>>
      %dma_start3A_1116 = arith.constant 0 : i32
      %dma_start3A_1117 = tpu.memref_slice %arg6[%add3A_1094, %dma_start3A_1116] : memref<16384x128xf32, #tpu.memory_space<hbm>> -> memref<128x128xf32, #tpu.memory_space<hbm>>
      %dma_start3A_1118 = arith.constant 0 : i32
      %dma_start3A_1119 = tpu.memref_slice %arg6[%add3A_1094, %dma_start3A_1118] : memref<16384x128xf32, #tpu.memory_space<hbm>> -> memref<128x128xf32, #tpu.memory_space<hbm>>
      %dma_start3A_1120 = arith.constant 0 : i32
      %dma_start3A_1121 = arith.constant 0 : i32
      %dma_start3A_1122 = tpu.memref_slice %arg12[%run_scoped3A_1095, %dma_start3A_1120, %dma_start3A_1121] : memref<2x128x128xf32, #tpu.memory_space<vmem>> -> memref<1x128x128xf32, #tpu.memory_space<vmem>>
      %dma_start3A_1123 = tpu.memref_squeeze %dma_start3A_1122 : memref<1x128x128xf32, #tpu.memory_space<vmem>> -> memref<128x128xf32, #tpu.memory_space<vmem>>
      tpu.enqueue_dma source(%dma_start3A_1123 : memref<128x128xf32, #tpu.memory_space<vmem>>) target(%dma_start3A_1119 : memref<128x128xf32, #tpu.memory_space<hbm>>) target_semaphore(%run_scoped3A_1111 : memref<!tpu.dma_semaphore, #tpu.memory_space<semaphore_mem>>)
      %dma_wait3A_1124 = arith.constant 0 : i32
      %dma_wait3A_1125 = arith.constant 0 : i32
      %dma_wait3A_1126 = tpu.memref_slice %arg12[%run_scoped3A_1095, %dma_wait3A_1124, %dma_wait3A_1125] : memref<2x128x128xf32, #tpu.memory_space<vmem>> -> memref<1x128x128xf32, #tpu.memory_space<vmem>>
      %dma_wait3A_1127 = tpu.memref_squeeze %dma_wait3A_1126 : memref<1x128x128xf32, #tpu.memory_space<vmem>> -> memref<128x128xf32, #tpu.memory_space<vmem>>
      %dma_wait3A_1128 = arith.constant 0 : i32
      %dma_wait3A_1129 = tpu.memref_slice %arg6[%add3A_1094, %dma_wait3A_1128] : memref<16384x128xf32, #tpu.memory_space<hbm>> -> memref<128x128xf32, #tpu.memory_space<hbm>>
      %dma_wait3A_1130 = arith.constant 0 : i32
      %dma_wait3A_1131 = tpu.memref_slice %arg6[%add3A_1094, %dma_wait3A_1130] : memref<16384x128xf32, #tpu.memory_space<hbm>> -> memref<128x128xf32, #tpu.memory_space<hbm>>
      %dma_wait3A_1132 = arith.constant 0 : i32
      %dma_wait3A_1133 = arith.constant 0 : i32
      %dma_wait3A_1134 = tpu.memref_slice %arg12[%run_scoped3A_1095, %dma_wait3A_1132, %dma_wait3A_1133] : memref<2x128x128xf32, #tpu.memory_space<vmem>> -> memref<1x128x128xf32, #tpu.memory_space<vmem>>
      %dma_wait3A_1135 = tpu.memref_squeeze %dma_wait3A_1134 : memref<1x128x128xf32, #tpu.memory_space<vmem>> -> memref<128x128xf32, #tpu.memory_space<vmem>>
      tpu.wait_dma2 semaphore(%run_scoped3A_1111 : memref<!tpu.dma_semaphore, #tpu.memory_space<semaphore_mem>>) src(%dma_wait3A_1135 : memref<128x128xf32, #tpu.memory_space<vmem>>) dst(%dma_wait3A_1131 : memref<128x128xf32, #tpu.memory_space<hbm>>)
      tpu.yield
    }) : () -> ()
    %dma_wait3A_1096 = arith.constant 3 : i32
    %dma_wait3A_1097 = arith.constant 1 : i32
    %dma_wait3A_1098 = arith.constant 0 : i32
    %dma_wait3A_1099 = arith.constant 0 : i32
    %dma_wait3A_1100 = tpu.memref_slice %arg13[%dma_wait3A_1097, %dma_wait3A_1098, %dma_wait3A_1099] : memref<2x128x128xf32, #tpu.memory_space<vmem>> -> memref<1x128x128xf32, #tpu.memory_space<vmem>>
    %dma_wait3A_1101 = tpu.memref_squeeze %dma_wait3A_1100 : memref<1x128x128xf32, #tpu.memory_space<vmem>> -> memref<128x128xf32, #tpu.memory_space<vmem>>
    %dma_wait3A_1102 = arith.constant 0 : i32
    %dma_wait3A_1103 = tpu.memref_slice %arg11[%dma_wait3A_1096, %dma_wait3A_1102] : memref<4x128xi32, #tpu.memory_space<vmem>> -> memref<1x128xi32, #tpu.memory_space<vmem>>
    %dma_wait3A_1104 = tpu.memref_squeeze %dma_wait3A_1103 : memref<1x128xi32, #tpu.memory_space<vmem>> -> memref<128xi32, #tpu.memory_space<vmem>>
    %dma_wait3A_1105 = arith.constant 0 : i32
    %dma_wait3A_1106 = arith.constant 0 : i32
    %dma_wait3A_1107 = tpu.memref_slice %arg5[%dma_wait3A_1105, %dma_wait3A_1106] : memref<50000x128xf32, #tpu.memory_space<hbm>> -> memref<50000x128xf32, #tpu.memory_space<hbm>>
    tpu.wait_indirect_dma semaphore(%arg17 : memref<!tpu.dma_semaphore, #tpu.memory_space<semaphore_mem>>) src(%dma_wait3A_1107 : memref<50000x128xf32, #tpu.memory_space<hbm>>) dst(%dma_wait3A_1101 : memref<128x128xf32, #tpu.memory_space<vmem>>)
    %add3A_1108 = arith.constant 384 : i32
    %add3A_1109 = arith.addi %mul3A_4, %add3A_1108 : i32
    %run_scoped3A_1110 = arith.constant 1 : i32
    "tpu.region"() ({
      %run_scoped3A_1111 = tpu.sem_alloc : memref<!tpu.dma_semaphore, #tpu.memory_space<semaphore_mem>>
      %dma_start3A_1112 = arith.constant 0 : i32
      %dma_start3A_1113 = arith.constant 0 : i32
      %dma_start3A_1114 = tpu.memref_slice %arg13[%run_scoped3A_1110, %dma_start3A_1112, %dma_start3A_1113] : memref<2x128x128xf32, #tpu.memory_space<vmem>> -> memref<1x128x128xf32, #tpu.memory_space<vmem>>
      %dma_start3A_1115 = tpu.memref_squeeze %dma_start3A_1114 : memref<1x128x128xf32, #tpu.memory_space<vmem>> -> memref<128x128xf32, #tpu.memory_space<vmem>>
      %dma_start3A_1116 = arith.constant 0 : i32
      %dma_start3A_1117 = tpu.memref_slice %arg7[%add3A_1109, %dma_start3A_1116] : memref<16384x128xf32, #tpu.memory_space<hbm>> -> memref<128x128xf32, #tpu.memory_space<hbm>>
      %dma_start3A_1118 = arith.constant 0 : i32
      %dma_start3A_1119 = tpu.memref_slice %arg7[%add3A_1109, %dma_start3A_1118] : memref<16384x128xf32, #tpu.memory_space<hbm>> -> memref<128x128xf32, #tpu.memory_space<hbm>>
      %dma_start3A_1120 = arith.constant 0 : i32
      %dma_start3A_1121 = arith.constant 0 : i32
      %dma_start3A_1122 = tpu.memref_slice %arg13[%run_scoped3A_1110, %dma_start3A_1120, %dma_start3A_1121] : memref<2x128x128xf32, #tpu.memory_space<vmem>> -> memref<1x128x128xf32, #tpu.memory_space<vmem>>
      %dma_start3A_1123 = tpu.memref_squeeze %dma_start3A_1122 : memref<1x128x128xf32, #tpu.memory_space<vmem>> -> memref<128x128xf32, #tpu.memory_space<vmem>>
      tpu.enqueue_dma source(%dma_start3A_1123 : memref<128x128xf32, #tpu.memory_space<vmem>>) target(%dma_start3A_1119 : memref<128x128xf32, #tpu.memory_space<hbm>>) target_semaphore(%run_scoped3A_1111 : memref<!tpu.dma_semaphore, #tpu.memory_space<semaphore_mem>>)
      %dma_wait3A_1124 = arith.constant 0 : i32
      %dma_wait3A_1125 = arith.constant 0 : i32
      %dma_wait3A_1126 = tpu.memref_slice %arg13[%run_scoped3A_1110, %dma_wait3A_1124, %dma_wait3A_1125] : memref<2x128x128xf32, #tpu.memory_space<vmem>> -> memref<1x128x128xf32, #tpu.memory_space<vmem>>
      %dma_wait3A_1127 = tpu.memref_squeeze %dma_wait3A_1126 : memref<1x128x128xf32, #tpu.memory_space<vmem>> -> memref<128x128xf32, #tpu.memory_space<vmem>>
      %dma_wait3A_1128 = arith.constant 0 : i32
      %dma_wait3A_1129 = tpu.memref_slice %arg7[%add3A_1109, %dma_wait3A_1128] : memref<16384x128xf32, #tpu.memory_space<hbm>> -> memref<128x128xf32, #tpu.memory_space<hbm>>
      %dma_wait3A_1130 = arith.constant 0 : i32
      %dma_wait3A_1131 = tpu.memref_slice %arg7[%add3A_1109, %dma_wait3A_1130] : memref<16384x128xf32, #tpu.memory_space<hbm>> -> memref<128x128xf32, #tpu.memory_space<hbm>>
      %dma_wait3A_1132 = arith.constant 0 : i32
      %dma_wait3A_1133 = arith.constant 0 : i32
      %dma_wait3A_1134 = tpu.memref_slice %arg13[%run_scoped3A_1110, %dma_wait3A_1132, %dma_wait3A_1133] : memref<2x128x128xf32, #tpu.memory_space<vmem>> -> memref<1x128x128xf32, #tpu.memory_space<vmem>>
      %dma_wait3A_1135 = tpu.memref_squeeze %dma_wait3A_1134 : memref<1x128x128xf32, #tpu.memory_space<vmem>> -> memref<128x128xf32, #tpu.memory_space<vmem>>
      tpu.wait_dma2 semaphore(%run_scoped3A_1111 : memref<!tpu.dma_semaphore, #tpu.memory_space<semaphore_mem>>) src(%dma_wait3A_1135 : memref<128x128xf32, #tpu.memory_space<vmem>>) dst(%dma_wait3A_1131 : memref<128x128xf32, #tpu.memory_space<hbm>>)
      tpu.yield
    }) : () -> ()
    return
  }
}

module attributes {stable_mosaic.version = 14 : i64} {
  func.func @_mlp_body(%arg0: i32, %arg1: memref<2048x128xf32, #tpu.memory_space<vmem>>, %arg2: memref<2048x128xf32, #tpu.memory_space<vmem>>, %arg3: memref<2048x1xf32, #tpu.memory_space<vmem>>, %arg4: memref<2048x1xf32, #tpu.memory_space<vmem>>, %arg5: memref<64x128xf32, #tpu.memory_space<vmem>>, %arg6: memref<64x128xf32, #tpu.memory_space<vmem>>, %arg7: memref<1x128xf32, #tpu.memory_space<vmem>>, %arg8: memref<128x64xf32, #tpu.memory_space<vmem>>, %arg9: memref<1x64xf32, #tpu.memory_space<vmem>>, %arg10: memref<64x1xf32, #tpu.memory_space<vmem>>, %arg11: memref<1x1xf32, #tpu.memory_space<vmem>>, %arg12: memref<2048xf32, #tpu.memory_space<vmem>>) attributes {dimension_semantics = [#tpu.dimension_semantics<arbitrary>], iteration_bounds = array<i64: 8>, scalar_prefetch = 0 : i64, scratch_operands = 0 : i64, tpu.core_type = #tpu.core_type<tc>, window_params = [{transform_indices = @transform_0, window_bounds = array<i64: 2048, 128>}, {transform_indices = @transform_1, window_bounds = array<i64: 2048, 128>}, {transform_indices = @transform_2, window_bounds = array<i64: 2048, 1>}, {transform_indices = @transform_3, window_bounds = array<i64: 2048, 1>}, {pipeline_mode = #tpu.pipeline_mode<synchronous>, transform_indices = @transform_4, window_bounds = array<i64: 64, 128>}, {pipeline_mode = #tpu.pipeline_mode<synchronous>, transform_indices = @transform_5, window_bounds = array<i64: 64, 128>}, {pipeline_mode = #tpu.pipeline_mode<synchronous>, transform_indices = @transform_6, window_bounds = array<i64: 1, 128>}, {pipeline_mode = #tpu.pipeline_mode<synchronous>, transform_indices = @transform_7, window_bounds = array<i64: 128, 64>}, {pipeline_mode = #tpu.pipeline_mode<synchronous>, transform_indices = @transform_8, window_bounds = array<i64: 1, 64>}, {pipeline_mode = #tpu.pipeline_mode<synchronous>, transform_indices = @transform_9, window_bounds = array<i64: 64, 1>}, {pipeline_mode = #tpu.pipeline_mode<synchronous>, transform_indices = @transform_10, window_bounds = array<i64: 1, 1>}, {transform_indices = @transform_11, window_bounds = array<i64: 2048>}]} {
    %get3A = arith.constant 0 : index
    %get3A_0 = arith.constant 0 : index
    %get3A_1 = vector.load %arg3[%get3A, %get3A_0] : memref<2048x1xf32, #tpu.memory_space<vmem>>, vector<2048x1xf32>
    %gt3A = arith.constant 5.000000e-01 : f32
    %gt3A_2 = vector.broadcast %gt3A : f32 to vector<2048x1xf32>
    %gt3A_3 = arith.cmpf ogt, %get3A_1, %gt3A_2 : vector<2048x1xf32>
    %get3A_4 = arith.constant 0 : index
    %get3A_5 = arith.constant 64 : index
    %get3A_6 = vector.load %arg1[%get3A_4, %get3A_5] : memref<2048x128xf32, #tpu.memory_space<vmem>>, vector<2048x64xf32>
    %get3A_7 = arith.constant 0 : index
    %get3A_8 = arith.constant 0 : index
    %get3A_9 = vector.load %arg1[%get3A_7, %get3A_8] : memref<2048x128xf32, #tpu.memory_space<vmem>>, vector<2048x64xf32>
    %broadcast_in_dim3A = vector.shape_cast %gt3A_3 : vector<2048x1xi1> to vector<2048x1xi1>
    %broadcast_in_dim3A_10 = vector.broadcast %broadcast_in_dim3A : vector<2048x1xi1> to vector<2048x64xi1>
    %select_n3A = arith.select %broadcast_in_dim3A_10, %get3A_6, %get3A_9 : vector<2048x64xi1>, vector<2048x64xf32>
    %get3A_11 = arith.constant 0 : index
    %get3A_12 = arith.constant 0 : index
    %get3A_13 = vector.load %arg4[%get3A_11, %get3A_12] : memref<2048x1xf32, #tpu.memory_space<vmem>>, vector<2048x1xf32>
    %gt3A_14 = arith.constant 5.000000e-01 : f32
    %gt3A_15 = vector.broadcast %gt3A_14 : f32 to vector<2048x1xf32>
    %gt3A_16 = arith.cmpf ogt, %get3A_13, %gt3A_15 : vector<2048x1xf32>
    %get3A_17 = arith.constant 0 : index
    %get3A_18 = arith.constant 64 : index
    %get3A_19 = vector.load %arg2[%get3A_17, %get3A_18] : memref<2048x128xf32, #tpu.memory_space<vmem>>, vector<2048x64xf32>
    %get3A_20 = arith.constant 0 : index
    %get3A_21 = arith.constant 0 : index
    %get3A_22 = vector.load %arg2[%get3A_20, %get3A_21] : memref<2048x128xf32, #tpu.memory_space<vmem>>, vector<2048x64xf32>
    %broadcast_in_dim3A_23 = vector.shape_cast %gt3A_16 : vector<2048x1xi1> to vector<2048x1xi1>
    %broadcast_in_dim3A_24 = vector.broadcast %broadcast_in_dim3A_23 : vector<2048x1xi1> to vector<2048x64xi1>
    %select_n3A_25 = arith.select %broadcast_in_dim3A_24, %get3A_19, %get3A_22 : vector<2048x64xi1>, vector<2048x64xf32>
    %get3A_26 = arith.constant 0 : index
    %get3A_27 = arith.constant 0 : index
    %get3A_28 = vector.load %arg5[%get3A_26, %get3A_27] : memref<64x128xf32, #tpu.memory_space<vmem>>, vector<64x128xf32>
    %dot_general3A = arith.constant dense<0.000000e+00> : vector<2048x128xf32>
    %dot_general3A_29 = tpu.matmul %select_n3A, %get3A_28, %dot_general3A {dimension_numbers = #tpu.dot_dimension_numbers<[1], [0], [0], [1], [0, 0, 1, 1], [], []>, transpose_lhs_hint = false} : vector<2048x64xf32>, vector<64x128xf32>, vector<2048x128xf32> -> vector<2048x128xf32>
    %get3A_30 = arith.constant 0 : index
    %get3A_31 = arith.constant 0 : index
    %get3A_32 = vector.load %arg6[%get3A_30, %get3A_31] : memref<64x128xf32, #tpu.memory_space<vmem>>, vector<64x128xf32>
    %dot_general3A_33 = arith.constant dense<0.000000e+00> : vector<2048x128xf32>
    %dot_general3A_34 = tpu.matmul %select_n3A_25, %get3A_32, %dot_general3A_33 {dimension_numbers = #tpu.dot_dimension_numbers<[1], [0], [0], [1], [0, 0, 1, 1], [], []>, transpose_lhs_hint = false} : vector<2048x64xf32>, vector<64x128xf32>, vector<2048x128xf32> -> vector<2048x128xf32>
    %add3A = arith.addf %dot_general3A_29, %dot_general3A_34 : vector<2048x128xf32>
    %get3A_35 = arith.constant 0 : index
    %get3A_36 = arith.constant 0 : index
    %get3A_37 = vector.load %arg7[%get3A_35, %get3A_36] : memref<1x128xf32, #tpu.memory_space<vmem>>, vector<1x128xf32>
    %add3A_38 = vector.broadcast %get3A_37 : vector<1x128xf32> to vector<2048x128xf32>
    %add3A_39 = arith.addf %add3A, %add3A_38 : vector<2048x128xf32>
    %max3A = arith.constant 0.000000e+00 : f32
    %max3A_40 = vector.broadcast %max3A : f32 to vector<2048x128xf32>
    %max3A_41 = arith.maximumf %add3A_39, %max3A_40 : vector<2048x128xf32>
    %get3A_42 = arith.constant 0 : index
    %get3A_43 = arith.constant 0 : index
    %get3A_44 = vector.load %arg8[%get3A_42, %get3A_43] : memref<128x64xf32, #tpu.memory_space<vmem>>, vector<128x64xf32>
    %dot_general3A_45 = arith.constant dense<0.000000e+00> : vector<2048x64xf32>
    %dot_general3A_46 = tpu.matmul %max3A_41, %get3A_44, %dot_general3A_45 {dimension_numbers = #tpu.dot_dimension_numbers<[1], [0], [0], [1], [0, 0, 1, 1], [], []>, transpose_lhs_hint = false} : vector<2048x128xf32>, vector<128x64xf32>, vector<2048x64xf32> -> vector<2048x64xf32>
    %get3A_47 = arith.constant 0 : index
    %get3A_48 = arith.constant 0 : index
    %get3A_49 = vector.load %arg9[%get3A_47, %get3A_48] : memref<1x64xf32, #tpu.memory_space<vmem>>, vector<1x64xf32>
    %add3A_50 = vector.broadcast %get3A_49 : vector<1x64xf32> to vector<2048x64xf32>
    %add3A_51 = arith.addf %dot_general3A_46, %add3A_50 : vector<2048x64xf32>
    %max3A_52 = arith.constant 0.000000e+00 : f32
    %max3A_53 = vector.broadcast %max3A_52 : f32 to vector<2048x64xf32>
    %max3A_54 = arith.maximumf %add3A_51, %max3A_53 : vector<2048x64xf32>
    %get3A_55 = arith.constant 0 : index
    %get3A_56 = arith.constant 0 : index
    %get3A_57 = vector.load %arg10[%get3A_55, %get3A_56] : memref<64x1xf32, #tpu.memory_space<vmem>>, vector<64x1xf32>
    %dot_general3A_58 = arith.constant dense<0.000000e+00> : vector<2048x1xf32>
    %dot_general3A_59 = tpu.matmul %max3A_54, %get3A_57, %dot_general3A_58 {dimension_numbers = #tpu.dot_dimension_numbers<[1], [0], [0], [1], [0, 0, 1, 1], [], []>, transpose_lhs_hint = false} : vector<2048x64xf32>, vector<64x1xf32>, vector<2048x1xf32> -> vector<2048x1xf32>
    %get3A_60 = arith.constant 0 : index
    %get3A_61 = arith.constant 0 : index
    %get3A_62 = vector.load %arg11[%get3A_60, %get3A_61] : memref<1x1xf32, #tpu.memory_space<vmem>>, vector<1x1xf32>
    %add3A_63 = vector.broadcast %get3A_62 : vector<1x1xf32> to vector<2048x1xf32>
    %add3A_64 = arith.addf %dot_general3A_59, %add3A_63 : vector<2048x1xf32>
    %squeeze3A = vector.shape_cast %add3A_64 : vector<2048x1xf32> to vector<2048xf32>
    %swap3A = arith.constant 0 : index
    %swap3A_65 = vector.load %arg12[%swap3A] : memref<2048xf32, #tpu.memory_space<vmem>>, vector<2048xf32>
    tpu.vector_store %arg12[%swap3A], %squeeze3A {strides = array<i32>} : memref<2048xf32, #tpu.memory_space<vmem>>, vector<2048xf32>,
    return
  }
  func.func @transform_0(%arg0: i32) -> (i32, i32) {
    %c0_i32 = arith.constant 0 : i32
    %c0_i32_0 = arith.constant 0 : i32
    return %arg0, %c0_i32 : i32, i32
  }
  func.func @transform_1(%arg0: i32) -> (i32, i32) {
    %c0_i32 = arith.constant 0 : i32
    %c0_i32_0 = arith.constant 0 : i32
    return %arg0, %c0_i32 : i32, i32
  }
  func.func @transform_2(%arg0: i32) -> (i32, i32) {
    %c0_i32 = arith.constant 0 : i32
    %c0_i32_0 = arith.constant 0 : i32
    return %arg0, %c0_i32 : i32, i32
  }
  func.func @transform_3(%arg0: i32) -> (i32, i32) {
    %c0_i32 = arith.constant 0 : i32
    %c0_i32_0 = arith.constant 0 : i32
    return %arg0, %c0_i32 : i32, i32
  }
  func.func @transform_4(%arg0: i32) -> (i32, i32) {
    %c0_i32 = arith.constant 0 : i32
    %c0_i32_0 = arith.constant 0 : i32
    %c0_i32_1 = arith.constant 0 : i32
    return %c0_i32, %c0_i32_0 : i32, i32
  }
  func.func @transform_5(%arg0: i32) -> (i32, i32) {
    %c0_i32 = arith.constant 0 : i32
    %c0_i32_0 = arith.constant 0 : i32
    %c0_i32_1 = arith.constant 0 : i32
    return %c0_i32, %c0_i32_0 : i32, i32
  }
  func.func @transform_6(%arg0: i32) -> (i32, i32) {
    %c0_i32 = arith.constant 0 : i32
    %c0_i32_0 = arith.constant 0 : i32
    %c0_i32_1 = arith.constant 0 : i32
    return %c0_i32, %c0_i32_0 : i32, i32
  }
  func.func @transform_7(%arg0: i32) -> (i32, i32) {
    %c0_i32 = arith.constant 0 : i32
    %c0_i32_0 = arith.constant 0 : i32
    %c0_i32_1 = arith.constant 0 : i32
    return %c0_i32, %c0_i32_0 : i32, i32
  }
  func.func @transform_8(%arg0: i32) -> (i32, i32) {
    %c0_i32 = arith.constant 0 : i32
    %c0_i32_0 = arith.constant 0 : i32
    %c0_i32_1 = arith.constant 0 : i32
    return %c0_i32, %c0_i32_0 : i32, i32
  }
  func.func @transform_9(%arg0: i32) -> (i32, i32) {
    %c0_i32 = arith.constant 0 : i32
    %c0_i32_0 = arith.constant 0 : i32
    %c0_i32_1 = arith.constant 0 : i32
    return %c0_i32, %c0_i32_0 : i32, i32
  }
  func.func @transform_10(%arg0: i32) -> (i32, i32) {
    %c0_i32 = arith.constant 0 : i32
    %c0_i32_0 = arith.constant 0 : i32
    %c0_i32_1 = arith.constant 0 : i32
    return %c0_i32, %c0_i32_0 : i32, i32
  }
  func.func @transform_11(%arg0: i32) -> i32 {
    %c0_i32 = arith.constant 0 : i32
    return %arg0 : i32
  }
}

</mosaic_0001>

<sc_bundles>
// kernel: kernel.4.cloned.1.call-start
scs
__scs_entry_jumppad:
0x0: {  	(pc) =	sbr.rel $0x88, $3  }
0x1: {  	(tag) =	ssettag $0x0;
	lr =	simm.s32 $0x1  }
0x2: {  	[smem:$0x3F97] =	sst lr;
	_ =	strace $0xD0000000  }
0x3: {  	_ = 	snop  }
0x4: {  	_ = 	snop  }
0x5: {  	_ = 	snop  }
0x6: {  	_ = 	snop  }
0x7: {  	_ = 	snop  }
__scs_overlays_trampoline_lowered:
0x8: {  	[smem:$0x3FA6] =	sst s0  }
0x9: {  	[smem:$0x3FA7] =	sst s1  }
0xa: {  	[smem:$0x3FA8] =	sst s2  }
0xb: {  	[smem:$0x3FA9] =	sst s3  }
0xc: {  	[smem:$0x3FAA] =	sst s4  }
0xd: {  	[smem:$0x3FAB] =	sst s5  }
0xe: {  	[smem:$0x3FAC] =	sst s6  }
0xf: {  	[smem:$0x3FAD] =	sst s7  }
0x10: {  	[smem:$0x3FAE] =	sst s8  }
0x11: {  	[smem:$0x3FAF] =	sst s9;
	s0 =	simm.s32 @!p0 $0x0  }
0x12: {  	s1 =	sld [smem:$0x3F95];
	s0 =	simm.s32 @p0 $0x1  }
0x13: {  	[smem:$0x3FB0] =	sst s0;
	s0 =	simm.s32 @!p1 $0x0  }
0x14: {  	s2 =	sld [smem:$0x3F94];
	s0 =	simm.s32 @p1 $0x1  }
0x15: {  	[smem:$0x3FB1] =	sst s0;
	s0 =	simm.s32 @!p2 $0x0  }
0x16: {  	s3 =	sld [smem:$0x3FDB];
	s0 =	simm.s32 @p2 $0x1  }
0x17: {  	s4 =	simm.s32 $0x1BF5;
	[smem:$0x3FB3] =	sst s0  }
0x18: {  	s0 =	sld [smem:$0x3F96];
	_ =	swait.ge [sflag:s4], $0x0  }
0x19: {  	s7 =	sld [smem:$0x3F97]  }
0x1a: {  	s8 =	sadd.s32 $0xFFFFE003, lr  }
0x1b: {  	s9 =	sadd.s32 $0xFFFFFEF7, lr;
	s5 =	simm.s32 $0xFFFFFFFF;
	p2 =	slt.u32 s8, $0xFFFFF086  }
0x1c: {  	p1 =	slt.u32 s9, $0xF7A;
	s5 =	simm.s32 @!p2 $0x0  }
0x1d: {  	s5 =	simm.s32 @p1 $0x1;
	p0 =	seq.s32 s7, s2  }
0x1e: {  	s7 =	smul.u32 @!p0 $0xF7A, s2;
	p2 =	seq.s32 @!p0 s5, $0x0  }
0x1f: {  	s9 =	smul.u32 $0xF7A, s1;
	s8 =	simm.s32 @!p0 $0x1BF5;
	p2 =	por !p2, p0  }
0x20: {  	[sflag:s8] =	ssyncset.s32 @!p0 $0xFFFFF086;
	s6 =	sadd.s32 @!p0 s3, s7;
	s7 =	simm.s32 @!p0 $0x108  }
0x21: {  	s3 =	sadd.s32 s3, s9;
	s6 =	sadd.s32 @!p0 $0x88, s6;
	s7 =	simm.s32 @p2 $0x1082  }
0x22: {  	[simem:s7], [sflag:s8] =	dma.local @!p0 [hbm:s6], $0xF7A  }
0x23: {  	s9 =	sor.u32 $0xD0000000, s2;
	s6 =	simm.s32 $0x108;
	_ =	swait.ge @!p0 [sflag:s8], $0x0  }
0x24: {  	s3 =	sadd.s32 $0x88, s3;
	s6 =	simm.s32 @!p1 $0x1082;
	[sflag:s4] =	ssyncset.s32 $0xFFFFF086  }
0x25: {  	[simem:s6], [sflag:s4] =	dma.local [hbm:s3], $0xF7A  }
0x26: {  	[smem:$0x3F97] =	sst s1;
	(tag) =	ssettag s2;
	_ =	strace s9  }
0x27: {  	s1 =	sld [smem:$0x3FA7]  }
0x28: {  	s2 =	sld [smem:$0x3FA8]  }
0x29: {  	s4 =	sld [smem:$0x3FAA]  }
0x2a: {  	p0 =	seq.s32 s5, $0x0;
	s5 =	sld [smem:$0x3FAB]  }
0x2b: {  	s6 =	sld [smem:$0x3FAC]  }
0x2c: {  	s7 =	sld [smem:$0x3FAD]  }
0x2d: {  	s3 =	simm.s32 $0x108;
	s8 =	sld [smem:$0x3FAE]  }
0x2e: {  	s3 =	simm.s32 @!p0 $0x1082;
	s9 =	sld [smem:$0x3FAF]  }
0x2f: {  	lr =	sadd.s32 s0, s3;
	s0 =	sld [smem:$0x3FA6]  }
0x30: {  	s3 =	sld [smem:$0x3FA9]  }
0x31: {  	[smem:$0x3FB2] =	sst s10  }
0x32: {  	s10 =	sld [smem:$0x3FB0];
	_ =	sdelay $0x3  }
0x33: {  	p0 =	seq.s32 s10, $0x1;
	s10 =	sld [smem:$0x3FB2];
	_ =	sdelay $0x3  }
0x34: {  	[smem:$0x3FB2] =	sst s10  }
0x35: {  	s10 =	sld [smem:$0x3FB1];
	_ =	sdelay $0x3  }
0x36: {  	p1 =	seq.s32 s10, $0x1;
	s10 =	sld [smem:$0x3FB2];
	_ =	sdelay $0x3  }
0x37: {  	[smem:$0x3FB2] =	sst s10  }
0x38: {  	s10 =	sld [smem:$0x3FB3]  }
0x39: {  	_ = 	snop;
	(pc) =	sbr.ind lr, $3  }
0x3a: {  	_ = 	snop  }
0x3b: {  	_ = 	snop  }
0x3c: {  	p2 =	seq.s32 s10, $0x1;
	s10 =	sld [smem:$0x3FB2]  }
0x3d: {  	_ =	shalt  }
0x3e: {  	_ =	shalt  }
0x3f: {  	_ =	shalt  }
0x40: {  	_ =	shalt  }
0x41: {  	_ =	shalt  }
0x42: {  	_ =	shalt  }
0x43: {  	_ =	shalt  }
0x44: {  	_ =	shalt  }
0x45: {  	_ =	shalt  }
0x46: {  	_ =	shalt  }
0x47: {  	_ =	shalt  }
0x48: {  	_ =	shalt  }
0x49: {  	_ =	shalt  }
0x4a: {  	_ =	shalt  }
0x4b: {  	_ =	shalt  }
0x4c: {  	_ =	shalt  }
0x4d: {  	_ =	shalt  }
0x4e: {  	_ =	shalt  }
0x4f: {  	_ =	shalt  }
0x50: {  	_ =	shalt  }
0x51: {  	_ =	shalt  }
0x52: {  	_ =	shalt  }
0x53: {  	_ =	shalt  }
0x54: {  	_ =	shalt  }
0x55: {  	_ =	shalt  }
0x56: {  	_ =	shalt  }
0x57: {  	_ =	shalt  }
0x58: {  	_ =	shalt  }
0x59: {  	_ =	shalt  }
0x5a: {  	_ =	shalt  }
0x5b: {  	_ =	shalt  }
0x5c: {  	_ =	shalt  }
0x5d: {  	_ =	shalt  }
0x5e: {  	_ =	shalt  }
0x5f: {  	_ =	shalt  }
0x60: {  	_ =	shalt  }
0x61: {  	_ =	shalt  }
0x62: {  	_ =	shalt  }
0x63: {  	_ =	shalt  }
0x64: {  	_ =	shalt  }
0x65: {  	_ =	shalt  }
0x66: {  	_ =	shalt  }
0x67: {  	_ =	shalt  }
0x68: {  	_ =	shalt  }
0x69: {  	_ =	shalt  }
0x6a: {  	_ =	shalt  }
0x6b: {  	_ =	shalt  }
0x6c: {  	_ =	shalt  }
0x6d: {  	_ =	shalt  }
0x6e: {  	_ =	shalt  }
0x6f: {  	_ =	shalt  }
0x70: {  	_ =	shalt  }
0x71: {  	_ =	shalt  }
0x72: {  	_ =	shalt  }
0x73: {  	_ =	shalt  }
0x74: {  	_ =	shalt  }
0x75: {  	_ =	shalt  }
0x76: {  	_ =	shalt  }
0x77: {  	_ =	shalt  }
0x78: {  	_ =	shalt  }
0x79: {  	_ =	shalt  }
0x7a: {  	_ =	shalt  }
0x7b: {  	_ =	shalt  }
0x7c: {  	_ =	shalt  }
0x7d: {  	_ =	shalt  }
0x7e: {  	_ =	shalt  }
0x7f: {  	_ =	shalt  }
0x80: {  	_ =	shalt  }
0x81: {  	_ =	shalt  }
0x82: {  	_ =	shalt  }
0x83: {  	_ =	shalt  }
0x84: {  	_ =	shalt  }
0x85: {  	_ =	shalt  }
0x86: {  	_ =	shalt  }
0x87: {  	_ =	shalt  }
.Lfunc_end0:
.L_simem_size_0:
called_computation_lowered:
.L_overlay_start_0:
0x88: {  	s2 =	sld [smem:$0x3FD9]  }
0x89: {  	s3 =	sld [smem:$0x3FFE];
	_ =	sdelay $0x1  }
0x8a: {  	s1 =	srdreg.scid  }
0x8b: {  	s0 =	sand.u32 $0x1, s1  }
0x8c: {  	s17 =	sshll.u32 s0, $0xA;
	s2 =	sadd.s32 s3, s2  }
0x8d: {  	s2 =	sadd.s32 s2, s17  }
0x8e: {  	[smem:$0x3FBE] =	sst s2  }
0x8f: {  	_ = 	snop  }
0x90: {  	s2 =	sld [smem:$0x3FC9]  }
0x91: {  	s18 =	sld [smem:$0x3FC8];
	(tm) =	ssettm $0x1  }
0x92: {  	s4 =	sld [smem:$0x3FFB];
	_ =	sdelay $0x3  }
0x93: {  	_ =	strace s4  }
0x94: {  	s4 =	sld [smem:$0x3FFC];
	_ =	sdelay $0x3  }
0x95: {  	_ =	strace s4  }
0x96: {  	s4 =	sld [smem:$0x3FFD];
	_ =	sdelay $0x3  }
0x97: {  	_ =	strace s4  }
0x98: {  	_ =	strace $0x8FFFFFFF  }
0x99: {  	s19 =	sld [smem:$0x3FDB];
	_ =	sdelay $0x1  }
0x9a: {  	s5 =	simm.s32 $_scs_section_size  }
0x9b: {  	s6 =	simm.s32 $_size__tile_overlayer_lowered;
	s7 =	simm.s32 $_tile_overlayer_lowered  }
0x9c: {  	s22 =	simm.s32 $0x1BFF;
	s21 =	sshll.u32 s7, $0x1;
	s4 =	sadd.s32 s5, s19  }
0x9d: {  	s8 =	simm.s32 $0x0;
	s20 =	sshll.u32 s6, $0x1;
	s6 =	sadd.s32 s21, s4  }
0x9e: {  	[timem:s8], [sflag:s22] =	dma.local [hbm:s6], s20  }
0x9f: {  	_ =	swait.ge [sflag:s22], s20  }
0xa0: {  	s5 =	ssub.s32 $0x0, s20;
	[sflag:s22] =	ssyncset.done $0x0  }
0xa1: {  	[sflag:s22] =	ssyncadd.s32 s5;
	_ =	sdelay $0x1  }
0xa2: {  	s23 =	simm.s32 $0x1B8B  }
0xa3: {  	_ =	swait.ge [sflag:s23], $0x1  }
0xa4: {  	[sflag:s23] =	ssyncset.done $0x0  }
0xa5: {  	s25 =	simm.s32 $0x1B8E;
	s24 =	sld [smem:$0x3FFE];
	[sflag:s23] =	ssyncadd.s32 $0xFFFFFFFF  }
0xa6: {  	s26 =	simm.s32 $execute0_lowered;
	[smem:$0x3FD2] =	sst s25  }
0xa7: {  	s6 =	sshll.u32 s26, $0x1;
	_ =	strace $0x80000046;
	[dreg:$0x1] =	wrdreg $0xFFFFFFFF  }
0xa8: {  	s28 =	simm.s32 $_size_execute0_lowered;
	s4 =	sadd.s32 s4, s6;
	[dreg:$0x0] =	wrdreg $0x0  }
0xa9: {  	s6 =	sshll.u32 s28, $0x1;
	[dreg:$0x2] =	wrdreg s4  }
0xaa: {  	[dreg:$0x3] =	wrdreg s6  }
0xab: {  	[dreg:$0x4] =	wrdreg $0xC0  }
0xac: {  	_ =	task [dreg:s8], $0x5FFFF  }
0xad: {  	[dreg:$0x1] =	wrdreg $0xFFFFFFFF  }
0xae: {  	[dreg:$0x0] =	wrdreg $0x60  }
0xaf: {  	[dreg:$0x2] =	wrdreg s2  }
0xb0: {  	[dreg:$0x3] =	wrdreg s18  }
0xb1: {  	[dreg:$0x4] =	wrdreg s24  }
0xb2: {  	[dreg:$0x5] =	wrdreg $0x9  }
0xb3: {  	_ =	task.clear_ibuf [dreg:s8], $0x6FFFF;
	_ =	strace $0x90000046  }
0xb4: {  	s29 =	simm.s32 $0x9;
	_ =	strace $0x80000048  }
0xb5: {  	_ =	swait.ge [sflag:s29], $0x1  }
0xb6: {  	[sflag:s29] =	ssyncadd.s32 $0xFFFFFFFF  }
0xb7: {  	_ =	strace $0x90000048  }
0xb8: {  	_ =	sfence  }
0xb9: {  	s30 =	sld [smem:$0x0];
	_ =	sdelay $0x2  }
0xba: {  	s31 =	sshll.u32 s1, $0xD;
	s1 =	sshrl.u32 s1, $0x2  }
0xbb: {  	s3 =	sand.u32 $0x4000, s31;
	s1 =	sadd.s32 s1, s30  }
0xbc: {  	s0 =	sor.u32 s3, s0;
	s1 =	sshll.u32 s1, $0x11  }
0xbd: {  	s0 =	sor.u32 s1, s0  }
0xbe: {  	s0 =	sadd.s32 $0x8F2B, s0  }
0xbf: {  	[sflag:s0] =	ssyncadd.remote.s32 $0x1  }
0xc0: {  	_ =	sfence.sel $0xFFFF  }
0xc1: {  	[dreg:$0x0] =	wrdreg $0xFFFFFFFF;
	(pc) =	sbr.abs _section_cstart, $3  }
0xc2: {  	[dreg:$0x1] =	wrdreg $0xFFFFFFFF  }
0xc3: {  	_ =	task.clear_ibuf [dreg:s8], $0x2FFFF;
	_ =	strace $0x9FFFFFFF  }
0xc4: {  	(tm) =	ssettm $0x7FFFFFFF  }
0xc5: {  	_ =	shalt  }
tec
execute0_lowered:
.L_overlay_start_1:
0x0: {  	(tag) =	ssettag $0x1  }
0x1: {  	s0 =	rddreg [dreg:$0x0]  }
0x2: {  	s5 =	rddreg [dreg:$0x1]  }
0x3: {  	s6 =	rddreg [dreg:$0x2];
	s1 =	simm.s32 $0x0  }
0x4: {  	s2 =	srdreg.scid;
	s20 =	stileid.u32;
	s15 =	simm.s32 $0x80  }
0x5: {  	s16 =	simm.s32 $0x400;
	s17 =	simm.s32 $0x800;
	s18 =	simm.s32 $0x600  }
0x6: {  	s19 =	simm.s32 $0x8800;
	s28 =	simm.s32 $0x700;
	s29 =	simm.s32 $0x2  }
0x7: {  	s30 =	simm.s32 $0x4;
	s31 =	simm.s32 $0x580;
	[smem:$0x7FF] =	sst s1  }
0x8: {  	s3 =	sadd.s32 $0xF44200, s6;
	s4 =	sadd.s32 $0x188800, s6;
	s7 =	sand.u32 $0x1, s2  }
0x9: {  	s10 =	sadd.s32 $0x1E00, s6;
	s11 =	sshll.u32 s20, $0x7;
	s13 =	sadd.s32 $0x41E00, s6  }
0xa: {  	s22 =	sshll.u32 s20, $0xE;
	s20 =	simm.s32 $0x480;
	s8 =	ssub.s32 $0x2, s7  }
0xb: {  	_ =	strace $0x80000047;
	s12 =	sshll.u32 s7, $0x6;
	s9 =	sshrl.u32 s8, $0x1  }
0xc: {  	s7 =	sshll.u32 s7, $0xD;
	s21 =	sor.u32 s12, s11;
	s14 =	ssub.s32 s8, s9  }
0xd: {  	s0 =	sadd.s32 s0, s21;
	s23 =	sadd.s32 s5, s21;
	s8 =	sor.u32 s7, s22  }
0xe: {  	s21 =	simm.s32 $0x4800;
	s22 =	simm.s32 $0x680;
	[dreg:$0x4] =	wrdreg s0  }
0xf: {  	[dreg:$0x5] =	wrdreg s23;
	s24 =	sadd.s32 s10, s8;
	s7 =	sor.u32 $0x800, s8  }
0x10: {  	s5 =	sadd.s32 s13, s8;
	s25 =	sor.u32 $0x1000, s8;
	s26 =	sor.u32 $0x1800, s8  }
0x11: {  	s12 =	smax.u32 s14, $0x1;
	s14 =	simm.s32 $0x200;
	s23 =	simm.s32 $0xC800  }
0x12: {  	s0 =	simm.s32 $0x780;
	[dreg:$0x6] =	wrdreg s24;
	s6 =	sadd.s32 s10, s7  }
0x13: {  	s7 =	sadd.s32 s13, s7;
	s8 =	sadd.s32 s10, s25;
	s9 =	sadd.s32 s13, s25  }
0x14: {  	s10 =	sadd.s32 s10, s26;
	s11 =	sadd.s32 s13, s26;
	s13 =	simm.s32 $0x5  }
0x15: {  	s24 =	simm.s32 $0x1;
	s25 =	simm.s32 $0x3;
	s26 =	simm.s32 $0x500  }
.LBB2_1:
0x16: {  	s2 =	rddreg [dreg:$0x4]  }
0x17: {  	[tilespmem:s1], [sflag:$0x5] =	stream.linear.gather [hbm4b:s2+s1], $0x200, $0x38;
	[tilespmem:$0x10800] =	vst v63  }
0x18: {  	_ =	swait.ge [sflag:s13], $0x200  }
0x19: {  	[sflag:s13] =	ssyncset.done $0x0  }
0x1a: {  	s2 =	rddreg [dreg:$0x5];
	[sflag:s13] =	ssyncadd.s32 $0xFFFFFE00  }
0x1b: {  	[tilespmem:s14], [sflag:$0x5] =	stream.linear.gather [hbm4b:s2+s1], $0x200, $0x38;
	[tilespmem:$0x10800] =	vst v63  }
0x1c: {  	_ =	swait.ge [sflag:s13], $0x200  }
0x1d: {  	[sflag:s13] =	ssyncset.done $0x0  }
0x1e: {  	[sflag:s13] =	ssyncadd.s32 $0xFFFFFE00  }
0x1f: {  	v0 =	vld [tilespmem:$0x0]  }
0x20: {  	v1 =	vld [tilespmem:$0x200]  }
0x21: {  	v2 =	vld [tilespmem:$0x10]  }
0x22: {  	v3 =	vld [tilespmem:$0x210]  }
0x23: {  	v4 =	vld [tilespmem:$0x20]  }
0x24: {  	v5 =	vld [tilespmem:$0x220];
	v0 =	vshrl.u32 v0, $0x1  }
0x25: {  	v57 =	vld [tilespmem:$0x30];
	v56 =	vshrl.u32 v1, $0x1;
	[tilespmem:$0x400] =	vst v0  }
0x26: {  	v59 =	vld [tilespmem:$0x230];
	v58 =	vshrl.u32 v2, $0x1;
	[tilespmem:$0x600] =	vst v56  }
0x27: {  	v61 =	vld [tilespmem:$0x40];
	v60 =	vshrl.u32 v3, $0x1;
	[tilespmem:$0x410] =	vst v58  }
0x28: {  	v63 =	vld [tilespmem:$0x240];
	v62 =	vshrl.u32 v4, $0x1;
	[tilespmem:$0x610] =	vst v60  }
0x29: {  	v9 =	vld [tilespmem:$0x50];
	v8 =	vshrl.u32 v5, $0x1;
	[tilespmem:$0x420] =	vst v62  }
0x2a: {  	v11 =	vld [tilespmem:$0x250];
	v10 =	vshrl.u32 v57, $0x1;
	[tilespmem:$0x620] =	vst v8  }
0x2b: {  	v13 =	vld [tilespmem:$0x60];
	v12 =	vshrl.u32 v59, $0x1;
	[tilespmem:$0x430] =	vst v10  }
0x2c: {  	v15 =	vld [tilespmem:$0x260];
	v14 =	vshrl.u32 v61, $0x1;
	[tilespmem:$0x630] =	vst v12  }
0x2d: {  	v17 =	vld [tilespmem:$0x70];
	v16 =	vshrl.u32 v63, $0x1;
	[tilespmem:$0x440] =	vst v14  }
0x2e: {  	v19 =	vld [tilespmem:$0x270];
	v18 =	vshrl.u32 v9, $0x1;
	[tilespmem:$0x640] =	vst v16  }
0x2f: {  	v21 =	vld [tilespmem:$0x80];
	v20 =	vshrl.u32 v11, $0x1;
	[tilespmem:$0x450] =	vst v18  }
0x30: {  	v23 =	vld [tilespmem:$0x280];
	v22 =	vshrl.u32 v13, $0x1;
	[tilespmem:$0x650] =	vst v20  }
0x31: {  	v25 =	vld [tilespmem:$0x90];
	v24 =	vshrl.u32 v15, $0x1;
	[tilespmem:$0x460] =	vst v22  }
0x32: {  	v27 =	vld [tilespmem:$0x290];
	v26 =	vshrl.u32 v17, $0x1;
	[tilespmem:$0x660] =	vst v24  }
0x33: {  	v29 =	vld [tilespmem:$0xA0];
	v28 =	vshrl.u32 v19, $0x1;
	[tilespmem:$0x470] =	vst v26  }
0x34: {  	v31 =	vld [tilespmem:$0x2A0];
	v30 =	vshrl.u32 v21, $0x1;
	[tilespmem:$0x670] =	vst v28  }
0x35: {  	v33 =	vld [tilespmem:$0xB0];
	v32 =	vshrl.u32 v23, $0x1;
	[tilespmem:$0x480] =	vst v30  }
0x36: {  	v35 =	vld [tilespmem:$0x2B0];
	v34 =	vshrl.u32 v25, $0x1;
	[tilespmem:$0x680] =	vst v32  }
0x37: {  	v37 =	vld [tilespmem:$0xC0];
	v36 =	vshrl.u32 v27, $0x1;
	[tilespmem:$0x490] =	vst v34  }
0x38: {  	v39 =	vld [tilespmem:$0x2C0];
	v38 =	vshrl.u32 v29, $0x1;
	[tilespmem:$0x690] =	vst v36  }
0x39: {  	v41 =	vld [tilespmem:$0xD0];
	v40 =	vshrl.u32 v31, $0x1;
	[tilespmem:$0x4A0] =	vst v38  }
0x3a: {  	v43 =	vld [tilespmem:$0x2D0];
	v42 =	vshrl.u32 v33, $0x1;
	[tilespmem:$0x6A0] =	vst v40  }
0x3b: {  	v45 =	vld [tilespmem:$0xE0];
	v44 =	vshrl.u32 v35, $0x1;
	[tilespmem:$0x4B0] =	vst v42  }
0x3c: {  	v55 =	vld [tilespmem:$0x300];
	v46 =	vshrl.u32 v37, $0x1;
	[tilespmem:$0x6B0] =	vst v44  }
0x3d: {  	v47 =	vld [tilespmem:$0x2E0];
	v48 =	vshrl.u32 v39, $0x1;
	[tilespmem:$0x4C0] =	vst v46  }
0x3e: {  	v49 =	vld [tilespmem:$0xF0];
	v50 =	vshrl.u32 v41, $0x1;
	[tilespmem:$0x6C0] =	vst v48  }
0x3f: {  	v51 =	vld [tilespmem:$0x2F0];
	v52 =	vshrl.u32 v43, $0x1;
	[tilespmem:$0x4D0] =	vst v50  }
0x40: {  	v53 =	vld [tilespmem:$0x100];
	v54 =	vshrl.u32 v45, $0x1;
	[tilespmem:$0x6D0] =	vst v52  }
0x41: {  	v57 =	vld [tilespmem:$0x110];
	v7 =	vshrl.u32 v55, $0x1;
	[tilespmem:$0x4E0] =	vst v54  }
0x42: {  	v59 =	vld [tilespmem:$0x310];
	v56 =	vshrl.u32 v47, $0x1;
	[tilespmem:$0x700] =	vst v7  }
0x43: {  	v61 =	vld [tilespmem:$0x120];
	v58 =	vshrl.u32 v49, $0x1;
	[tilespmem:$0x6E0] =	vst v56  }
0x44: {  	v63 =	vld [tilespmem:$0x320];
	v60 =	vshrl.u32 v51, $0x1;
	[tilespmem:$0x4F0] =	vst v58  }
0x45: {  	v62 =	vshrl.u32 v53, $0x1;
	v8 =	vld [tilespmem:$0x130];
	[tilespmem:$0x6F0] =	vst v60  }
0x46: {  	v10 =	vld [tilespmem:$0x330];
	[tilespmem:$0x500] =	vst v62;
	v9 =	vshrl.u32 v57, $0x1  }
0x47: {  	v12 =	vld [tilespmem:$0x140];
	v11 =	vshrl.u32 v59, $0x1;
	[tilespmem:$0x510] =	vst v9  }
0x48: {  	v14 =	vld [tilespmem:$0x340];
	v13 =	vshrl.u32 v61, $0x1;
	[tilespmem:$0x710] =	vst v11  }
0x49: {  	v16 =	vld [tilespmem:$0x150];
	v15 =	vshrl.u32 v63, $0x1;
	[tilespmem:$0x520] =	vst v13  }
0x4a: {  	v18 =	vld [tilespmem:$0x350];
	[tilespmem:$0x720] =	vst v15;
	v17 =	vshrl.u32 v8, $0x1  }
0x4b: {  	v20 =	vld [tilespmem:$0x160];
	v19 =	vshrl.u32 v10, $0x1;
	[tilespmem:$0x530] =	vst v17  }
0x4c: {  	v22 =	vld [tilespmem:$0x360];
	v21 =	vshrl.u32 v12, $0x1;
	[tilespmem:$0x730] =	vst v19  }
0x4d: {  	v24 =	vld [tilespmem:$0x170];
	v23 =	vshrl.u32 v14, $0x1;
	[tilespmem:$0x540] =	vst v21  }
0x4e: {  	v26 =	vld [tilespmem:$0x370];
	v25 =	vshrl.u32 v16, $0x1;
	[tilespmem:$0x740] =	vst v23  }
0x4f: {  	v28 =	vld [tilespmem:$0x180];
	v27 =	vshrl.u32 v18, $0x1;
	[tilespmem:$0x550] =	vst v25  }
0x50: {  	v30 =	vld [tilespmem:$0x380];
	v29 =	vshrl.u32 v20, $0x1;
	[tilespmem:$0x750] =	vst v27  }
0x51: {  	v32 =	vld [tilespmem:$0x190];
	v31 =	vshrl.u32 v22, $0x1;
	[tilespmem:$0x560] =	vst v29  }
0x52: {  	v34 =	vld [tilespmem:$0x390];
	v33 =	vshrl.u32 v24, $0x1;
	[tilespmem:$0x760] =	vst v31  }
0x53: {  	v36 =	vld [tilespmem:$0x1A0];
	v35 =	vshrl.u32 v26, $0x1;
	[tilespmem:$0x570] =	vst v33  }
0x54: {  	v38 =	vld [tilespmem:$0x3A0];
	v37 =	vshrl.u32 v28, $0x1;
	[tilespmem:$0x770] =	vst v35  }
0x55: {  	v40 =	vld [tilespmem:$0x1B0];
	v39 =	vshrl.u32 v30, $0x1;
	[tilespmem:$0x580] =	vst v37  }
0x56: {  	v42 =	vld [tilespmem:$0x3B0];
	v41 =	vshrl.u32 v32, $0x1;
	[tilespmem:$0x780] =	vst v39  }
0x57: {  	v44 =	vld [tilespmem:$0x1C0];
	v43 =	vshrl.u32 v34, $0x1;
	[tilespmem:$0x590] =	vst v41  }
0x58: {  	v46 =	vld [tilespmem:$0x3C0];
	v45 =	vshrl.u32 v36, $0x1;
	[tilespmem:$0x790] =	vst v43  }
0x59: {  	v48 =	vld [tilespmem:$0x1D0];
	v47 =	vshrl.u32 v38, $0x1;
	[tilespmem:$0x5A0] =	vst v45  }
0x5a: {  	v50 =	vld [tilespmem:$0x3D0];
	v49 =	vshrl.u32 v40, $0x1;
	[tilespmem:$0x7A0] =	vst v47  }
0x5b: {  	v52 =	vld [tilespmem:$0x1E0];
	v51 =	vshrl.u32 v42, $0x1;
	[tilespmem:$0x5B0] =	vst v49  }
0x5c: {  	v54 =	vld [tilespmem:$0x3E0];
	v53 =	vshrl.u32 v44, $0x1;
	[tilespmem:$0x7B0] =	vst v51  }
0x5d: {  	v56 =	vld [tilespmem:$0x1F0];
	v55 =	vshrl.u32 v46, $0x1;
	[tilespmem:$0x5C0] =	vst v53  }
0x5e: {  	v58 =	vld [tilespmem:$0x3F0];
	v57 =	vshrl.u32 v48, $0x1;
	[tilespmem:$0x7C0] =	vst v55  }
0x5f: {  	v59 =	vshrl.u32 v50, $0x1;
	[tilespmem:$0x5D0] =	vst v57  }
0x60: {  	v60 =	vshrl.u32 v52, $0x1;
	[tilespmem:$0x7D0] =	vst v59  }
0x61: {  	v61 =	vshrl.u32 v54, $0x1;
	[tilespmem:$0x5E0] =	vst v60  }
0x62: {  	[tilespmem:$0x7E0] =	vst v61;
	v62 =	vshrl.u32 v56, $0x1  }
0x63: {  	v63 =	vshrl.u32 v58, $0x1;
	[tilespmem:$0x5F0] =	vst v62  }
0x64: {  	[tilespmem:$0x7F0] =	vst v63  }
0x65: {  	[tilespmem:s17], [sflag:$0x1] =	stream.indirect.gather [hbm4b:s3+s15], $0x80, s16, s15, $0xb8;
	[tilespmem:$0x10800] =	vst v63  }
0x66: {  	_ = 	snop  }
0x67: {  	[tilespmem:s19], [sflag:$0x3] =	stream.indirect.gather [hbm4b:s4+s15], $0x80, s18, s15, $0xb8;
	[tilespmem:$0x10800] =	vst v63  }
0x68: {  	_ = 	snop  }
0x69: {  	[tilespmem:s21], [sflag:$0x2] =	stream.indirect.gather [hbm4b:s3+s15], $0x80, s20, s15, $0xb8;
	[tilespmem:$0x10800] =	vst v63  }
0x6a: {  	_ = 	snop  }
0x6b: {  	[tilespmem:s23], [sflag:$0x4] =	stream.indirect.gather [hbm4b:s4+s15], $0x80, s22, s15, $0xb8;
	[tilespmem:$0x10800] =	vst v63  }
0x6c: {  	_ =	swait.ge [sflag:s24], $0x4000  }
0x6d: {  	[sflag:s24] =	ssyncset.done $0x0  }
0x6e: {  	s2 =	rddreg [dreg:$0x6];
	[sflag:s24] =	ssyncadd.s32 $0xFFFFC000  }
0x6f: {  	[hbm4b:s2+s1] =	stream.linear.scatter [tilespmem:s17], [sflag:$0x5], $0x4000, $0x38;
	[tilespmem:$0x10800] =	vst v63  }
0x70: {  	_ =	swait.ge [sflag:s13], $0x4000  }
0x71: {  	[sflag:s13] =	ssyncset.done $0x0  }
0x72: {  	[sflag:s13] =	ssyncadd.s32 $0xFFFFC000  }
0x73: {  	_ =	swait.ge [sflag:s25], $0x4000  }
0x74: {  	[sflag:s25] =	ssyncset.done $0x0  }
0x75: {  	[sflag:s25] =	ssyncadd.s32 $0xFFFFC000  }
0x76: {  	[hbm4b:s5+s1] =	stream.linear.scatter [tilespmem:s19], [sflag:$0x5], $0x4000, $0x38;
	[tilespmem:$0x10800] =	vst v63  }
0x77: {  	_ =	swait.ge [sflag:s13], $0x4000  }
0x78: {  	[sflag:s13] =	ssyncset.done $0x0  }
0x79: {  	[sflag:s13] =	ssyncadd.s32 $0xFFFFC000  }
0x7a: {  	[tilespmem:s17], [sflag:$0x1] =	stream.indirect.gather [hbm4b:s3+s15], $0x80, s26, s15, $0xb8;
	[tilespmem:$0x10800] =	vst v63  }
0x7b: {  	_ = 	snop  }
0x7c: {  	[tilespmem:s19], [sflag:$0x3] =	stream.indirect.gather [hbm4b:s4+s15], $0x80, s28, s15, $0xb8;
	[tilespmem:$0x10800] =	vst v63  }
0x7d: {  	_ =	swait.ge [sflag:s29], $0x4000  }
0x7e: {  	[sflag:s29] =	ssyncset.done $0x0  }
0x7f: {  	[sflag:s29] =	ssyncadd.s32 $0xFFFFC000  }
0x80: {  	[hbm4b:s6+s1] =	stream.linear.scatter [tilespmem:s21], [sflag:$0x5], $0x4000, $0x38;
	[tilespmem:$0x10800] =	vst v63  }
0x81: {  	_ =	swait.ge [sflag:s13], $0x4000  }
0x82: {  	[sflag:s13] =	ssyncset.done $0x0  }
0x83: {  	[sflag:s13] =	ssyncadd.s32 $0xFFFFC000  }
0x84: {  	_ =	swait.ge [sflag:s30], $0x4000  }
0x85: {  	[sflag:s30] =	ssyncset.done $0x0  }
0x86: {  	[sflag:s30] =	ssyncadd.s32 $0xFFFFC000  }
0x87: {  	[hbm4b:s7+s1] =	stream.linear.scatter [tilespmem:s23], [sflag:$0x5], $0x4000, $0x38;
	[tilespmem:$0x10800] =	vst v63  }
0x88: {  	_ =	swait.ge [sflag:s13], $0x4000  }
0x89: {  	[sflag:s13] =	ssyncset.done $0x0  }
0x8a: {  	[sflag:s13] =	ssyncadd.s32 $0xFFFFC000  }
0x8b: {  	[tilespmem:s21], [sflag:$0x2] =	stream.indirect.gather [hbm4b:s3+s15], $0x80, s31, s15, $0xb8;
	[tilespmem:$0x10800] =	vst v63  }
0x8c: {  	_ = 	snop  }
0x8d: {  	[tilespmem:s23], [sflag:$0x4] =	stream.indirect.gather [hbm4b:s4+s15], $0x80, s0, s15, $0xb8;
	[tilespmem:$0x10800] =	vst v63  }
0x8e: {  	_ =	swait.ge [sflag:s24], $0x4000  }
0x8f: {  	[sflag:s24] =	ssyncset.done $0x0  }
0x90: {  	[sflag:s24] =	ssyncadd.s32 $0xFFFFC000  }
0x91: {  	[hbm4b:s8+s1] =	stream.linear.scatter [tilespmem:s17], [sflag:$0x5], $0x4000, $0x38;
	[tilespmem:$0x10800] =	vst v63  }
0x92: {  	_ =	swait.ge [sflag:s13], $0x4000  }
0x93: {  	[sflag:s13] =	ssyncset.done $0x0  }
0x94: {  	[sflag:s13] =	ssyncadd.s32 $0xFFFFC000  }
0x95: {  	_ =	swait.ge [sflag:s25], $0x4000  }
0x96: {  	[sflag:s25] =	ssyncset.done $0x0  }
0x97: {  	[sflag:s25] =	ssyncadd.s32 $0xFFFFC000  }
0x98: {  	[hbm4b:s9+s1] =	stream.linear.scatter [tilespmem:s19], [sflag:$0x5], $0x4000, $0x38;
	[tilespmem:$0x10800] =	vst v63  }
0x99: {  	_ =	swait.ge [sflag:s13], $0x4000  }
0x9a: {  	[sflag:s13] =	ssyncset.done $0x0  }
0x9b: {  	[sflag:s13] =	ssyncadd.s32 $0xFFFFC000  }
0x9c: {  	_ =	swait.ge [sflag:s29], $0x4000  }
0x9d: {  	[sflag:s29] =	ssyncset.done $0x0  }
0x9e: {  	[sflag:s29] =	ssyncadd.s32 $0xFFFFC000  }
0x9f: {  	[hbm4b:s10+s1] =	stream.linear.scatter [tilespmem:s21], [sflag:$0x5], $0x4000, $0x38;
	[tilespmem:$0x10800] =	vst v63  }
0xa0: {  	_ =	swait.ge [sflag:s13], $0x4000  }
0xa1: {  	[sflag:s13] =	ssyncset.done $0x0  }
0xa2: {  	[sflag:s13] =	ssyncadd.s32 $0xFFFFC000  }
0xa3: {  	_ =	swait.ge [sflag:s30], $0x4000  }
0xa4: {  	p0 =	sne.s32 s12, $0x1;
	[sflag:s30] =	ssyncset.done $0x0  }
.Ltmp0:
0xa5: {  	[sflag:s30] =	ssyncadd.s32 $0xFFFFC000;
	(pc) =	sbr.rel @p0 .LBB2_1-.Ltmp0, $4  }
0xa6: {  	[hbm4b:s11+s1] =	stream.linear.scatter [tilespmem:s23], [sflag:$0x5], $0x4000, $0x38;
	[tilespmem:$0x10800] =	vst v63  }
0xa7: {  	_ =	swait.ge [sflag:s13], $0x4000  }
0xa8: {  	[sflag:s13] =	ssyncset.done $0x0  }
0xa9: {  	s12 =	sadd.s32 $0xFFFFFFFF, s12;
	[sflag:s13] =	ssyncadd.s32 $0xFFFFC000  }
0xaa: {  	_ =	sfence.sel $0x180000  }
0xab: {  	[bflag:$0x0] =	sbarrier.arrive $0xFFFF  }
0xac: {  	_ =	strace $0x90000047  }
0xad: {  	s0 =	stileid.u32;
	[bflag:$0x2] =	sbarrier.arrive $0xFFFF  }
0xae: {  	p0 =	sne.s32 s0, $0x0;
	s0 =	rddreg [dreg:$0x3]  }
0xaf: {  	s0 =	sadd.s32 @!p0 $0x100000, s0  }
0xb0: {  	[sflag:s0] =	ssyncadd.tile.s32 @!p0 $0x1;
	_ =	shalt  }
.Lfunc_end2:
_tile_overlayer_lowered:
.L_overlay_start_2:
0xb1: {  	(tag) =	ssettag $0x2  }
0xb2: {  	s0 =	rddreg [dreg:$0x0];
	s2 =	stileid.u32  }
0xb3: {  	s1 =	rddreg [dreg:$0x1];
	p0 =	sne.s32 s2, $0x0  }
0xb4: {  	s3 =	rddreg [dreg:$0x2];
	[bflag:$0x3] =	sbarrier.arrive $0xFFFF;
	s2 =	simm.s32 @!p0 $0x1C05  }
0xb5: {  	[timem:s3], [sflag:s2] =	dma.local @!p0 [hbm:s0], s1  }
0xb6: {  	s0 =	simm.s32 @!p0 $0x5  }
0xb7: {  	_ =	swait.ge @!p0 [sflag:s0], s1  }
0xb8: {  	s1 =	ssub.s32 @!p0 $0x0, s1;
	[sflag:s0] =	ssyncset.done @!p0 $0x0  }
0xb9: {  	[sflag:s0] =	ssyncadd.s32 @!p0 s1  }
0xba: {  	[bflag:$0x3] =	sbarrier.arrive $0xFFFF  }
0xbb: {  	_ =	shalt  }

</sc_bundles>
